<compile_context>
chip_gen: v7x
topology: tpu7x:2x2x1
jax: 0.10.2.dev20260603
libtpu: 0.0.44.dev20260713+nightly
codegen_flags: <defaults>
</compile_context>

<pallas_src>
import functools

import jax
import jax.numpy as jnp
from jax import lax
from jax.experimental import pallas as pl
from jax.experimental.pallas import tpu as pltpu
from jax.experimental.pallas import tpu_sc as plsc

_B, _T, _C, _K = 16, 2048, 256, 1024
_NW = 32
_RW = _B * _T // _NW
_CH = 128
_NCH = _RW // _CH


def _tc_a(enc_ref, dec_ref, wpre_ref, bpre_ref, wpost_ref, bpost_ref,
          cb_ref,
          y_ref, idx_ref, cm_ref, kl_ref, cwout_ref,
          c2b_ref):
    b = pl.program_id(0)

    @pl.when(b == 0)
    def _init_consts():
        cb = cb_ref[...]
        c2col = jnp.sum(cb * cb, axis=1, keepdims=True)
        c2b_ref[...] = jnp.broadcast_to(c2col * 0.5, (_K, _T))
        cwout_ref[...] = jnp.dot(cb, wpost_ref[...],
                                 preferred_element_type=jnp.float32)

    x = enc_ref[0] - dec_ref[0]
    r = jnp.dot(x, wpre_ref[...],
                preferred_element_type=jnp.float32) + bpre_ref[...]
    dots_t = jax.lax.dot_general(cb_ref[...], r, (((1,), (1,)), ((), ())),
                                 preferred_element_type=jnp.float32)
    m_t = dots_t - c2b_ref[...]

    idxr = jnp.argmax(m_t, axis=0)
    maxm = jnp.max(m_t, axis=0, keepdims=True)
    rsq = r * r
    r2 = jnp.dot(rsq, jnp.ones((_C, 1), jnp.float32),
                 preferred_element_type=jnp.float32)
    idx_ref[0, 0, :] = idxr

    krow = jax.lax.broadcasted_iota(jnp.int32, (_K, _T), 0)
    oh_t = (krow == idxr[None, :]).astype(jnp.float32)
    cnt = jnp.dot(oh_t, jnp.ones((_T, 1), jnp.float32),
                  preferred_element_type=jnp.float32)

    y = jnp.dot(dec_ref[0], wpost_ref[...],
                preferred_element_type=jnp.float32)
    y_ref[0] = y + bpost_ref[...]

    s_mind = jnp.sum(r2) - 2.0 * jnp.sum(maxm)
    cm_ref[...] = (s_mind * (1.0 / (_T * _C))).reshape(1, 1, 1)
    p = cnt * (1.0 / _T)
    kl_ref[...] = jnp.sum(p * jnp.log(p * _K + 1e-10)).reshape(1, 1, 1)


def _sc_gather(cw_hbm, idx_hbm, out_hbm, idx_v, rows_v, sem):
    wid = lax.axis_index("s") * 2 + lax.axis_index("c")
    base = wid * _RW
    for c in range(_NCH):
        off = base + c * _CH
        pltpu.sync_copy(idx_hbm.at[pl.ds(off, _CH)], idx_v)
        pltpu.async_copy(cw_hbm.at[idx_v], rows_v, sem).wait()
        pltpu.sync_copy(rows_v, out_hbm.at[pl.ds(off, _CH)])


def _tc_add(y_ref, g_ref, out_ref):
    out_ref[0] = y_ref[0] + g_ref[0]


def kernel(enc, dec, W_pre, b_pre, W_post, b_post, codebook):
    bpre2 = b_pre.reshape(1, _C)
    bpost2 = b_post.reshape(1, _C)

    y3, idx3, cm3, kl3, cw = pl.pallas_call(
        _tc_a,
        grid=(_B,),
        in_specs=[
            pl.BlockSpec((1, _T, _C), lambda b: (b, 0, 0)),
            pl.BlockSpec((1, _T, _C), lambda b: (b, 0, 0)),
            pl.BlockSpec((_C, _C), lambda b: (0, 0)),
            pl.BlockSpec((1, _C), lambda b: (0, 0)),
            pl.BlockSpec((_C, _C), lambda b: (0, 0)),
            pl.BlockSpec((1, _C), lambda b: (0, 0)),
            pl.BlockSpec((_K, _C), lambda b: (0, 0)),
        ],
        out_specs=[
            pl.BlockSpec((1, _T, _C), lambda b: (b, 0, 0)),
            pl.BlockSpec((1, 1, _T), lambda b: (b, 0, 0)),
            pl.BlockSpec((1, 1, 1), lambda b: (b, 0, 0)),
            pl.BlockSpec((1, 1, 1), lambda b: (b, 0, 0)),
            pl.BlockSpec((_K, _C), lambda b: (0, 0)),
        ],
        out_shape=[
            jax.ShapeDtypeStruct((_B, _T, _C), jnp.float32),
            jax.ShapeDtypeStruct((_B, 1, _T), jnp.int32),
            jax.ShapeDtypeStruct((_B, 1, 1), jnp.float32),
            jax.ShapeDtypeStruct((_B, 1, 1), jnp.float32),
            jax.ShapeDtypeStruct((_K, _C), jnp.float32),
        ],
        scratch_shapes=[
            pltpu.VMEM((_K, _T), jnp.float32),
        ],
    )(enc, dec, W_pre, bpre2, W_post, bpost2, codebook)

    idx_flat = idx3.reshape(_B * _T)

    gather = functools.partial(
        pl.kernel,
        mesh=plsc.VectorSubcoreMesh(core_axis_name="c", subcore_axis_name="s"),
        out_type=jax.ShapeDtypeStruct((_B * _T, _C), jnp.float32),
        scratch_types=[
            pltpu.VMEM((_CH,), jnp.int32),
            pltpu.VMEM((_CH, _C), jnp.float32),
            pltpu.SemaphoreType.DMA,
        ],
    )(_sc_gather)
    gathered = gather(cw, idx_flat)

    out = pl.pallas_call(
        _tc_add,
        grid=(_B,),
        in_specs=[
            pl.BlockSpec((1, _T, _C), lambda b: (b, 0, 0)),
            pl.BlockSpec((1, _T, _C), lambda b: (b, 0, 0)),
        ],
        out_specs=pl.BlockSpec((1, _T, _C), lambda b: (b, 0, 0)),
        out_shape=jax.ShapeDtypeStruct((_B, _T, _C), jnp.float32),
    )(y3, gathered.reshape(_B, _T, _C))

    indices = idx3.reshape(_B, _T)
    cm = cm3.reshape(_B)
    kl = kl3.reshape(_B)
    return out, cm, cm, kl, indices

# --- scband reference (transcript-rebuilt; emitter-appended) ---
"""Pipeline reference for scband-base-cross-scale-decoder-40072044871904 (READ-ONLY COPY).

The authoritative reference and input builder live on the scoring server;
editing this copy changes nothing except your own understanding.
"""

import jax, jax.numpy as jnp
import numpy as np

B, T, C, K = 16, 2048, 256, 1024

def setup_inputs(seed: int = 0) -> dict:
    key = jax.random.key(seed)
    ks = jax.random.split(key, 8)
    enc = jax.random.normal(ks[0], (B, T, C), dtype=jnp.float32)
    dec = jax.random.normal(ks[1], (B, T, C), dtype=jnp.float32)
    W_pre = jax.random.normal(ks[2], (C, C), dtype=jnp.float32) * (1.0 / np.sqrt(C))
    b_pre = jnp.zeros((C,), dtype=jnp.float32)
    W_post = jax.random.normal(ks[3], (C, C), dtype=jnp.float32) * (1.0 / np.sqrt(C))
    b_post = jnp.zeros((C,), dtype=jnp.float32)
    codebook = jax.random.normal(ks[4], (K, C), dtype=jnp.float32)
    return {"enc": enc, "dec": dec, "W_pre": W_pre, "b_pre": b_pre, "W_post": W_post, "b_post": b_post, "codebook": codebook}

def reference(enc, dec, W_pre, b_pre, W_post, b_post, codebook):
    # pre_fuse (residual fuse, fuse_net == 'None'): pre_fuse_net[idx](enc - dec)
    residual = jnp.einsum('btc,cd->btd', enc - dec, W_pre) + b_pre
    # vector quantization of residual against codebook
    r2 = jnp.sum(residual ** 2, axis=-1, keepdims=True)            # [B,T,1]
    c2 = jnp.sum(codebook ** 2, axis=-1)                           # [K]
    dots = jnp.einsum('btc,kc->btk', residual, codebook)           # [B,T,K]
    dists = r2 - 2.0 * dots + c2[None, None, :]
    indices = jnp.argmin(dists, axis=-1)                           # [B,T]
    quantized = jnp.take(codebook, indices, axis=0)                # [B,T,C]
    # commitment / codebook losses (per-batch, matching cm_loss/cb_loss semantics)
    cm_loss = jnp.mean((jax.lax.stop_gradient(quantized) - residual) ** 2, axis=(1, 2))
    cb_loss = jnp.mean((quantized - jax.lax.stop_gradient(residual)) ** 2, axis=(1, 2))
    # kl loss: code-usage distribution vs uniform, per batch element
    onehot = jax.nn.one_hot(indices, K, dtype=jnp.float32)         # [B,T,K]
    probs = jnp.mean(onehot, axis=1)                               # [B,K]
    kl_loss = jnp.sum(probs * jnp.log(probs * K + 1e-10), axis=-1) # [B]
    # straight-through estimator
    residual_q = residual + jax.lax.stop_gradient(quantized - residual)
    # post_fuse: post_fuse_net[idx](residual_q + dec), transmit=True path
    dec_refine = jnp.einsum('btc,cd->btd', residual_q + dec, W_post) + b_post
    return (dec_refine, cm_loss, cb_loss, kl_loss, indices)

if __name__ == "__main__":
    import jax
    _d = setup_inputs()
    print(jax.jit(kernel)(*tuple(_d.values())))

</pallas_src>

<mosaic_0001>
#map = affine_map<(d0, d1) -> (0, 0)>
#map1 = affine_map<(d0, d1) -> (0)>
module attributes {stable_mosaic.version = 14 : i64} {
  func.func @_sc_gather(%arg0: i32, %arg1: i32, %arg2: memref<1024x256xf32, #tpu.memory_space<hbm>>, %arg3: memref<32768xi32, #tpu.memory_space<hbm>>, %arg4: memref<32768x256xf32, #tpu.memory_space<hbm>>, %arg5: memref<128xi32, #tpu.memory_space<vmem>>, %arg6: memref<128x256xf32, #tpu.memory_space<vmem>>, %arg7: memref<!tpu.dma_semaphore, #tpu.memory_space<semaphore_mem>>) attributes {dimension_semantics = [#tpu.dimension_semantics<core_parallel>, #tpu.dimension_semantics<subcore_parallel>], iteration_bounds = array<i64: 2, 16>, scalar_prefetch = 0 : i64, scratch_operands = 3 : i64, tpu.core_type = #tpu.core_type<sc_vector_subcore>, window_params = [{transform_indices = #map}, {transform_indices = #map1}, {transform_indices = #map}]} {
    %mul3A = arith.constant 2 : i32
    %mul3A_0 = arith.muli %arg1, %mul3A : i32
    %add3A = arith.addi %mul3A_0, %arg0 : i32
    %mul3A_1 = arith.constant 1024 : i32
    %mul3A_2 = arith.muli %add3A, %mul3A_1 : i32
    %add3A_3 = arith.constant 0 : i32
    %add3A_4 = arith.addi %mul3A_2, %add3A_3 : i32
    "tpu.region"() ({
      %run_scoped3A = tpu.sem_alloc : memref<!tpu.dma_semaphore, #tpu.memory_space<semaphore_mem>>
      %dma_start3A_65 = tpu.memref_slice %arg3[%add3A_4] : memref<32768xi32, #tpu.memory_space<hbm>> -> memref<128xi32, #tpu.memory_space<hbm>>
      %dma_start3A_66 = tpu.memref_slice %arg3[%add3A_4] : memref<32768xi32, #tpu.memory_space<hbm>> -> memref<128xi32, #tpu.memory_space<hbm>>
      tpu.enqueue_dma source(%dma_start3A_66 : memref<128xi32, #tpu.memory_space<hbm>>) target(%arg5 : memref<128xi32, #tpu.memory_space<vmem>>) target_semaphore(%run_scoped3A : memref<!tpu.dma_semaphore, #tpu.memory_space<semaphore_mem>>)
      %dma_wait3A_67 = tpu.memref_slice %arg3[%add3A_4] : memref<32768xi32, #tpu.memory_space<hbm>> -> memref<128xi32, #tpu.memory_space<hbm>>
      %dma_wait3A_68 = tpu.memref_slice %arg3[%add3A_4] : memref<32768xi32, #tpu.memory_space<hbm>> -> memref<128xi32, #tpu.memory_space<hbm>>
      tpu.wait_dma2 semaphore(%run_scoped3A : memref<!tpu.dma_semaphore, #tpu.memory_space<semaphore_mem>>) src(%dma_wait3A_68 : memref<128xi32, #tpu.memory_space<hbm>>) dst(%arg5 : memref<128xi32, #tpu.memory_space<vmem>>)
      tpu.yield
    }) : () -> ()
    %dma_start3A = arith.constant 0 : i32
    %dma_start3A_5 = arith.constant 0 : i32
    %dma_start3A_6 = tpu.memref_slice %arg2[%dma_start3A, %dma_start3A_5] : memref<1024x256xf32, #tpu.memory_space<hbm>> -> memref<1024x256xf32, #tpu.memory_space<hbm>>
    tpu.enqueue_indirect_dma source(%dma_start3A_6 : memref<1024x256xf32, #tpu.memory_space<hbm>>) target(%arg6 : memref<128x256xf32, #tpu.memory_space<vmem>>) offsets(%arg5 : memref<128xi32, #tpu.memory_space<vmem>>) semaphore(%arg7 : memref<!tpu.dma_semaphore, #tpu.memory_space<semaphore_mem>>)
    %dma_wait3A = arith.constant 0 : i32
    %dma_wait3A_7 = arith.constant 0 : i32
    %dma_wait3A_8 = tpu.memref_slice %arg2[%dma_wait3A, %dma_wait3A_7] : memref<1024x256xf32, #tpu.memory_space<hbm>> -> memref<1024x256xf32, #tpu.memory_space<hbm>>
    tpu.wait_indirect_dma semaphore(%arg7 : memref<!tpu.dma_semaphore, #tpu.memory_space<semaphore_mem>>) src(%dma_wait3A_8 : memref<1024x256xf32, #tpu.memory_space<hbm>>) dst(%arg6 : memref<128x256xf32, #tpu.memory_space<vmem>>)
    "tpu.region"() ({
      %run_scoped3A = tpu.sem_alloc : memref<!tpu.dma_semaphore, #tpu.memory_space<semaphore_mem>>
      %dma_start3A_65 = arith.constant 0 : i32
      %dma_start3A_66 = tpu.memref_slice %arg4[%add3A_4, %dma_start3A_65] : memref<32768x256xf32, #tpu.memory_space<hbm>> -> memref<128x256xf32, #tpu.memory_space<hbm>>
      %dma_start3A_67 = arith.constant 0 : i32
      %dma_start3A_68 = tpu.memref_slice %arg4[%add3A_4, %dma_start3A_67] : memref<32768x256xf32, #tpu.memory_space<hbm>> -> memref<128x256xf32, #tpu.memory_space<hbm>>
      tpu.enqueue_dma source(%arg6 : memref<128x256xf32, #tpu.memory_space<vmem>>) target(%dma_start3A_68 : memref<128x256xf32, #tpu.memory_space<hbm>>) target_semaphore(%run_scoped3A : memref<!tpu.dma_semaphore, #tpu.memory_space<semaphore_mem>>)
      %dma_wait3A_69 = arith.constant 0 : i32
      %dma_wait3A_70 = tpu.memref_slice %arg4[%add3A_4, %dma_wait3A_69] : memref<32768x256xf32, #tpu.memory_space<hbm>> -> memref<128x256xf32, #tpu.memory_space<hbm>>
      %dma_wait3A_71 = arith.constant 0 : i32
      %dma_wait3A_72 = tpu.memref_slice %arg4[%add3A_4, %dma_wait3A_71] : memref<32768x256xf32, #tpu.memory_space<hbm>> -> memref<128x256xf32, #tpu.memory_space<hbm>>
      tpu.wait_dma2 semaphore(%run_scoped3A : memref<!tpu.dma_semaphore, #tpu.memory_space<semaphore_mem>>) src(%arg6 : memref<128x256xf32, #tpu.memory_space<vmem>>) dst(%dma_wait3A_72 : memref<128x256xf32, #tpu.memory_space<hbm>>)
      tpu.yield
    }) : () -> ()
    %add3A_9 = arith.constant 128 : i32
    %add3A_10 = arith.addi %mul3A_2, %add3A_9 : i32
    "tpu.region"() ({
      %run_scoped3A = tpu.sem_alloc : memref<!tpu.dma_semaphore, #tpu.memory_space<semaphore_mem>>
      %dma_start3A_65 = tpu.memref_slice %arg3[%add3A_10] : memref<32768xi32, #tpu.memory_space<hbm>> -> memref<128xi32, #tpu.memory_space<hbm>>
      %dma_start3A_66 = tpu.memref_slice %arg3[%add3A_10] : memref<32768xi32, #tpu.memory_space<hbm>> -> memref<128xi32, #tpu.memory_space<hbm>>
      tpu.enqueue_dma source(%dma_start3A_66 : memref<128xi32, #tpu.memory_space<hbm>>) target(%arg5 : memref<128xi32, #tpu.memory_space<vmem>>) target_semaphore(%run_scoped3A : memref<!tpu.dma_semaphore, #tpu.memory_space<semaphore_mem>>)
      %dma_wait3A_67 = tpu.memref_slice %arg3[%add3A_10] : memref<32768xi32, #tpu.memory_space<hbm>> -> memref<128xi32, #tpu.memory_space<hbm>>
      %dma_wait3A_68 = tpu.memref_slice %arg3[%add3A_10] : memref<32768xi32, #tpu.memory_space<hbm>> -> memref<128xi32, #tpu.memory_space<hbm>>
      tpu.wait_dma2 semaphore(%run_scoped3A : memref<!tpu.dma_semaphore, #tpu.memory_space<semaphore_mem>>) src(%dma_wait3A_68 : memref<128xi32, #tpu.memory_space<hbm>>) dst(%arg5 : memref<128xi32, #tpu.memory_space<vmem>>)
      tpu.yield
    }) : () -> ()
    %dma_start3A_11 = arith.constant 0 : i32
    %dma_start3A_12 = arith.constant 0 : i32
    %dma_start3A_13 = tpu.memref_slice %arg2[%dma_start3A_11, %dma_start3A_12] : memref<1024x256xf32, #tpu.memory_space<hbm>> -> memref<1024x256xf32, #tpu.memory_space<hbm>>
    tpu.enqueue_indirect_dma source(%dma_start3A_13 : memref<1024x256xf32, #tpu.memory_space<hbm>>) target(%arg6 : memref<128x256xf32, #tpu.memory_space<vmem>>) offsets(%arg5 : memref<128xi32, #tpu.memory_space<vmem>>) semaphore(%arg7 : memref<!tpu.dma_semaphore, #tpu.memory_space<semaphore_mem>>)
    %dma_wait3A_14 = arith.constant 0 : i32
    %dma_wait3A_15 = arith.constant 0 : i32
    %dma_wait3A_16 = tpu.memref_slice %arg2[%dma_wait3A_14, %dma_wait3A_15] : memref<1024x256xf32, #tpu.memory_space<hbm>> -> memref<1024x256xf32, #tpu.memory_space<hbm>>
    tpu.wait_indirect_dma semaphore(%arg7 : memref<!tpu.dma_semaphore, #tpu.memory_space<semaphore_mem>>) src(%dma_wait3A_16 : memref<1024x256xf32, #tpu.memory_space<hbm>>) dst(%arg6 : memref<128x256xf32, #tpu.memory_space<vmem>>)
    "tpu.region"() ({
      %run_scoped3A = tpu.sem_alloc : memref<!tpu.dma_semaphore, #tpu.memory_space<semaphore_mem>>
      %dma_start3A_65 = arith.constant 0 : i32
      %dma_start3A_66 = tpu.memref_slice %arg4[%add3A_10, %dma_start3A_65] : memref<32768x256xf32, #tpu.memory_space<hbm>> -> memref<128x256xf32, #tpu.memory_space<hbm>>
      %dma_start3A_67 = arith.constant 0 : i32
      %dma_start3A_68 = tpu.memref_slice %arg4[%add3A_10, %dma_start3A_67] : memref<32768x256xf32, #tpu.memory_space<hbm>> -> memref<128x256xf32, #tpu.memory_space<hbm>>
      tpu.enqueue_dma source(%arg6 : memref<128x256xf32, #tpu.memory_space<vmem>>) target(%dma_start3A_68 : memref<128x256xf32, #tpu.memory_space<hbm>>) target_semaphore(%run_scoped3A : memref<!tpu.dma_semaphore, #tpu.memory_space<semaphore_mem>>)
      %dma_wait3A_69 = arith.constant 0 : i32
      %dma_wait3A_70 = tpu.memref_slice %arg4[%add3A_10, %dma_wait3A_69] : memref<32768x256xf32, #tpu.memory_space<hbm>> -> memref<128x256xf32, #tpu.memory_space<hbm>>
      %dma_wait3A_71 = arith.constant 0 : i32
      %dma_wait3A_72 = tpu.memref_slice %arg4[%add3A_10, %dma_wait3A_71] : memref<32768x256xf32, #tpu.memory_space<hbm>> -> memref<128x256xf32, #tpu.memory_space<hbm>>
      tpu.wait_dma2 semaphore(%run_scoped3A : memref<!tpu.dma_semaphore, #tpu.memory_space<semaphore_mem>>) src(%arg6 : memref<128x256xf32, #tpu.memory_space<vmem>>) dst(%dma_wait3A_72 : memref<128x256xf32, #tpu.memory_space<hbm>>)
      tpu.yield
    }) : () -> ()
    %add3A_17 = arith.constant 256 : i32
    %add3A_18 = arith.addi %mul3A_2, %add3A_17 : i32
    "tpu.region"() ({
      %run_scoped3A = tpu.sem_alloc : memref<!tpu.dma_semaphore, #tpu.memory_space<semaphore_mem>>
      %dma_start3A_65 = tpu.memref_slice %arg3[%add3A_18] : memref<32768xi32, #tpu.memory_space<hbm>> -> memref<128xi32, #tpu.memory_space<hbm>>
      %dma_start3A_66 = tpu.memref_slice %arg3[%add3A_18] : memref<32768xi32, #tpu.memory_space<hbm>> -> memref<128xi32, #tpu.memory_space<hbm>>
      tpu.enqueue_dma source(%dma_start3A_66 : memref<128xi32, #tpu.memory_space<hbm>>) target(%arg5 : memref<128xi32, #tpu.memory_space<vmem>>) target_semaphore(%run_scoped3A : memref<!tpu.dma_semaphore, #tpu.memory_space<semaphore_mem>>)
      %dma_wait3A_67 = tpu.memref_slice %arg3[%add3A_18] : memref<32768xi32, #tpu.memory_space<hbm>> -> memref<128xi32, #tpu.memory_space<hbm>>
      %dma_wait3A_68 = tpu.memref_slice %arg3[%add3A_18] : memref<32768xi32, #tpu.memory_space<hbm>> -> memref<128xi32, #tpu.memory_space<hbm>>
      tpu.wait_dma2 semaphore(%run_scoped3A : memref<!tpu.dma_semaphore, #tpu.memory_space<semaphore_mem>>) src(%dma_wait3A_68 : memref<128xi32, #tpu.memory_space<hbm>>) dst(%arg5 : memref<128xi32, #tpu.memory_space<vmem>>)
      tpu.yield
    }) : () -> ()
    %dma_start3A_19 = arith.constant 0 : i32
    %dma_start3A_20 = arith.constant 0 : i32
    %dma_start3A_21 = tpu.memref_slice %arg2[%dma_start3A_19, %dma_start3A_20] : memref<1024x256xf32, #tpu.memory_space<hbm>> -> memref<1024x256xf32, #tpu.memory_space<hbm>>
    tpu.enqueue_indirect_dma source(%dma_start3A_21 : memref<1024x256xf32, #tpu.memory_space<hbm>>) target(%arg6 : memref<128x256xf32, #tpu.memory_space<vmem>>) offsets(%arg5 : memref<128xi32, #tpu.memory_space<vmem>>) semaphore(%arg7 : memref<!tpu.dma_semaphore, #tpu.memory_space<semaphore_mem>>)
    %dma_wait3A_22 = arith.constant 0 : i32
    %dma_wait3A_23 = arith.constant 0 : i32
    %dma_wait3A_24 = tpu.memref_slice %arg2[%dma_wait3A_22, %dma_wait3A_23] : memref<1024x256xf32, #tpu.memory_space<hbm>> -> memref<1024x256xf32, #tpu.memory_space<hbm>>
    tpu.wait_indirect_dma semaphore(%arg7 : memref<!tpu.dma_semaphore, #tpu.memory_space<semaphore_mem>>) src(%dma_wait3A_24 : memref<1024x256xf32, #tpu.memory_space<hbm>>) dst(%arg6 : memref<128x256xf32, #tpu.memory_space<vmem>>)
    "tpu.region"() ({
      %run_scoped3A = tpu.sem_alloc : memref<!tpu.dma_semaphore, #tpu.memory_space<semaphore_mem>>
      %dma_start3A_65 = arith.constant 0 : i32
      %dma_start3A_66 = tpu.memref_slice %arg4[%add3A_18, %dma_start3A_65] : memref<32768x256xf32, #tpu.memory_space<hbm>> -> memref<128x256xf32, #tpu.memory_space<hbm>>
      %dma_start3A_67 = arith.constant 0 : i32
      %dma_start3A_68 = tpu.memref_slice %arg4[%add3A_18, %dma_start3A_67] : memref<32768x256xf32, #tpu.memory_space<hbm>> -> memref<128x256xf32, #tpu.memory_space<hbm>>
      tpu.enqueue_dma source(%arg6 : memref<128x256xf32, #tpu.memory_space<vmem>>) target(%dma_start3A_68 : memref<128x256xf32, #tpu.memory_space<hbm>>) target_semaphore(%run_scoped3A : memref<!tpu.dma_semaphore, #tpu.memory_space<semaphore_mem>>)
      %dma_wait3A_69 = arith.constant 0 : i32
      %dma_wait3A_70 = tpu.memref_slice %arg4[%add3A_18, %dma_wait3A_69] : memref<32768x256xf32, #tpu.memory_space<hbm>> -> memref<128x256xf32, #tpu.memory_space<hbm>>
      %dma_wait3A_71 = arith.constant 0 : i32
      %dma_wait3A_72 = tpu.memref_slice %arg4[%add3A_18, %dma_wait3A_71] : memref<32768x256xf32, #tpu.memory_space<hbm>> -> memref<128x256xf32, #tpu.memory_space<hbm>>
      tpu.wait_dma2 semaphore(%run_scoped3A : memref<!tpu.dma_semaphore, #tpu.memory_space<semaphore_mem>>) src(%arg6 : memref<128x256xf32, #tpu.memory_space<vmem>>) dst(%dma_wait3A_72 : memref<128x256xf32, #tpu.memory_space<hbm>>)
      tpu.yield
    }) : () -> ()
    %add3A_25 = arith.constant 384 : i32
    %add3A_26 = arith.addi %mul3A_2, %add3A_25 : i32
    "tpu.region"() ({
      %run_scoped3A = tpu.sem_alloc : memref<!tpu.dma_semaphore, #tpu.memory_space<semaphore_mem>>
      %dma_start3A_65 = tpu.memref_slice %arg3[%add3A_26] : memref<32768xi32, #tpu.memory_space<hbm>> -> memref<128xi32, #tpu.memory_space<hbm>>
      %dma_start3A_66 = tpu.memref_slice %arg3[%add3A_26] : memref<32768xi32, #tpu.memory_space<hbm>> -> memref<128xi32, #tpu.memory_space<hbm>>
      tpu.enqueue_dma source(%dma_start3A_66 : memref<128xi32, #tpu.memory_space<hbm>>) target(%arg5 : memref<128xi32, #tpu.memory_space<vmem>>) target_semaphore(%run_scoped3A : memref<!tpu.dma_semaphore, #tpu.memory_space<semaphore_mem>>)
      %dma_wait3A_67 = tpu.memref_slice %arg3[%add3A_26] : memref<32768xi32, #tpu.memory_space<hbm>> -> memref<128xi32, #tpu.memory_space<hbm>>
      %dma_wait3A_68 = tpu.memref_slice %arg3[%add3A_26] : memref<32768xi32, #tpu.memory_space<hbm>> -> memref<128xi32, #tpu.memory_space<hbm>>
      tpu.wait_dma2 semaphore(%run_scoped3A : memref<!tpu.dma_semaphore, #tpu.memory_space<semaphore_mem>>) src(%dma_wait3A_68 : memref<128xi32, #tpu.memory_space<hbm>>) dst(%arg5 : memref<128xi32, #tpu.memory_space<vmem>>)
      tpu.yield
    }) : () -> ()
    %dma_start3A_27 = arith.constant 0 : i32
    %dma_start3A_28 = arith.constant 0 : i32
    %dma_start3A_29 = tpu.memref_slice %arg2[%dma_start3A_27, %dma_start3A_28] : memref<1024x256xf32, #tpu.memory_space<hbm>> -> memref<1024x256xf32, #tpu.memory_space<hbm>>
    tpu.enqueue_indirect_dma source(%dma_start3A_29 : memref<1024x256xf32, #tpu.memory_space<hbm>>) target(%arg6 : memref<128x256xf32, #tpu.memory_space<vmem>>) offsets(%arg5 : memref<128xi32, #tpu.memory_space<vmem>>) semaphore(%arg7 : memref<!tpu.dma_semaphore, #tpu.memory_space<semaphore_mem>>)
    %dma_wait3A_30 = arith.constant 0 : i32
    %dma_wait3A_31 = arith.constant 0 : i32
    %dma_wait3A_32 = tpu.memref_slice %arg2[%dma_wait3A_30, %dma_wait3A_31] : memref<1024x256xf32, #tpu.memory_space<hbm>> -> memref<1024x256xf32, #tpu.memory_space<hbm>>
    tpu.wait_indirect_dma semaphore(%arg7 : memref<!tpu.dma_semaphore, #tpu.memory_space<semaphore_mem>>) src(%dma_wait3A_32 : memref<1024x256xf32, #tpu.memory_space<hbm>>) dst(%arg6 : memref<128x256xf32, #tpu.memory_space<vmem>>)
    "tpu.region"() ({
      %run_scoped3A = tpu.sem_alloc : memref<!tpu.dma_semaphore, #tpu.memory_space<semaphore_mem>>
      %dma_start3A_65 = arith.constant 0 : i32
      %dma_start3A_66 = tpu.memref_slice %arg4[%add3A_26, %dma_start3A_65] : memref<32768x256xf32, #tpu.memory_space<hbm>> -> memref<128x256xf32, #tpu.memory_space<hbm>>
      %dma_start3A_67 = arith.constant 0 : i32
      %dma_start3A_68 = tpu.memref_slice %arg4[%add3A_26, %dma_start3A_67] : memref<32768x256xf32, #tpu.memory_space<hbm>> -> memref<128x256xf32, #tpu.memory_space<hbm>>
      tpu.enqueue_dma source(%arg6 : memref<128x256xf32, #tpu.memory_space<vmem>>) target(%dma_start3A_68 : memref<128x256xf32, #tpu.memory_space<hbm>>) target_semaphore(%run_scoped3A : memref<!tpu.dma_semaphore, #tpu.memory_space<semaphore_mem>>)
      %dma_wait3A_69 = arith.constant 0 : i32
      %dma_wait3A_70 = tpu.memref_slice %arg4[%add3A_26, %dma_wait3A_69] : memref<32768x256xf32, #tpu.memory_space<hbm>> -> memref<128x256xf32, #tpu.memory_space<hbm>>
      %dma_wait3A_71 = arith.constant 0 : i32
      %dma_wait3A_72 = tpu.memref_slice %arg4[%add3A_26, %dma_wait3A_71] : memref<32768x256xf32, #tpu.memory_space<hbm>> -> memref<128x256xf32, #tpu.memory_space<hbm>>
      tpu.wait_dma2 semaphore(%run_scoped3A : memref<!tpu.dma_semaphore, #tpu.memory_space<semaphore_mem>>) src(%arg6 : memref<128x256xf32, #tpu.memory_space<vmem>>) dst(%dma_wait3A_72 : memref<128x256xf32, #tpu.memory_space<hbm>>)
      tpu.yield
    }) : () -> ()
    %add3A_33 = arith.constant 512 : i32
    %add3A_34 = arith.addi %mul3A_2, %add3A_33 : i32
    "tpu.region"() ({
      %run_scoped3A = tpu.sem_alloc : memref<!tpu.dma_semaphore, #tpu.memory_space<semaphore_mem>>
      %dma_start3A_65 = tpu.memref_slice %arg3[%add3A_34] : memref<32768xi32, #tpu.memory_space<hbm>> -> memref<128xi32, #tpu.memory_space<hbm>>
      %dma_start3A_66 = tpu.memref_slice %arg3[%add3A_34] : memref<32768xi32, #tpu.memory_space<hbm>> -> memref<128xi32, #tpu.memory_space<hbm>>
      tpu.enqueue_dma source(%dma_start3A_66 : memref<128xi32, #tpu.memory_space<hbm>>) target(%arg5 : memref<128xi32, #tpu.memory_space<vmem>>) target_semaphore(%run_scoped3A : memref<!tpu.dma_semaphore, #tpu.memory_space<semaphore_mem>>)
      %dma_wait3A_67 = tpu.memref_slice %arg3[%add3A_34] : memref<32768xi32, #tpu.memory_space<hbm>> -> memref<128xi32, #tpu.memory_space<hbm>>
      %dma_wait3A_68 = tpu.memref_slice %arg3[%add3A_34] : memref<32768xi32, #tpu.memory_space<hbm>> -> memref<128xi32, #tpu.memory_space<hbm>>
      tpu.wait_dma2 semaphore(%run_scoped3A : memref<!tpu.dma_semaphore, #tpu.memory_space<semaphore_mem>>) src(%dma_wait3A_68 : memref<128xi32, #tpu.memory_space<hbm>>) dst(%arg5 : memref<128xi32, #tpu.memory_space<vmem>>)
      tpu.yield
    }) : () -> ()
    %dma_start3A_35 = arith.constant 0 : i32
    %dma_start3A_36 = arith.constant 0 : i32
    %dma_start3A_37 = tpu.memref_slice %arg2[%dma_start3A_35, %dma_start3A_36] : memref<1024x256xf32, #tpu.memory_space<hbm>> -> memref<1024x256xf32, #tpu.memory_space<hbm>>
    tpu.enqueue_indirect_dma source(%dma_start3A_37 : memref<1024x256xf32, #tpu.memory_space<hbm>>) target(%arg6 : memref<128x256xf32, #tpu.memory_space<vmem>>) offsets(%arg5 : memref<128xi32, #tpu.memory_space<vmem>>) semaphore(%arg7 : memref<!tpu.dma_semaphore, #tpu.memory_space<semaphore_mem>>)
    %dma_wait3A_38 = arith.constant 0 : i32
    %dma_wait3A_39 = arith.constant 0 : i32
    %dma_wait3A_40 = tpu.memref_slice %arg2[%dma_wait3A_38, %dma_wait3A_39] : memref<1024x256xf32, #tpu.memory_space<hbm>> -> memref<1024x256xf32, #tpu.memory_space<hbm>>
    tpu.wait_indirect_dma semaphore(%arg7 : memref<!tpu.dma_semaphore, #tpu.memory_space<semaphore_mem>>) src(%dma_wait3A_40 : memref<1024x256xf32, #tpu.memory_space<hbm>>) dst(%arg6 : memref<128x256xf32, #tpu.memory_space<vmem>>)
    "tpu.region"() ({
      %run_scoped3A = tpu.sem_alloc : memref<!tpu.dma_semaphore, #tpu.memory_space<semaphore_mem>>
      %dma_start3A_65 = arith.constant 0 : i32
      %dma_start3A_66 = tpu.memref_slice %arg4[%add3A_34, %dma_start3A_65] : memref<32768x256xf32, #tpu.memory_space<hbm>> -> memref<128x256xf32, #tpu.memory_space<hbm>>
      %dma_start3A_67 = arith.constant 0 : i32
      %dma_start3A_68 = tpu.memref_slice %arg4[%add3A_34, %dma_start3A_67] : memref<32768x256xf32, #tpu.memory_space<hbm>> -> memref<128x256xf32, #tpu.memory_space<hbm>>
      tpu.enqueue_dma source(%arg6 : memref<128x256xf32, #tpu.memory_space<vmem>>) target(%dma_start3A_68 : memref<128x256xf32, #tpu.memory_space<hbm>>) target_semaphore(%run_scoped3A : memref<!tpu.dma_semaphore, #tpu.memory_space<semaphore_mem>>)
      %dma_wait3A_69 = arith.constant 0 : i32
      %dma_wait3A_70 = tpu.memref_slice %arg4[%add3A_34, %dma_wait3A_69] : memref<32768x256xf32, #tpu.memory_space<hbm>> -> memref<128x256xf32, #tpu.memory_space<hbm>>
      %dma_wait3A_71 = arith.constant 0 : i32
      %dma_wait3A_72 = tpu.memref_slice %arg4[%add3A_34, %dma_wait3A_71] : memref<32768x256xf32, #tpu.memory_space<hbm>> -> memref<128x256xf32, #tpu.memory_space<hbm>>
      tpu.wait_dma2 semaphore(%run_scoped3A : memref<!tpu.dma_semaphore, #tpu.memory_space<semaphore_mem>>) src(%arg6 : memref<128x256xf32, #tpu.memory_space<vmem>>) dst(%dma_wait3A_72 : memref<128x256xf32, #tpu.memory_space<hbm>>)
      tpu.yield
    }) : () -> ()
    %add3A_41 = arith.constant 640 : i32
    %add3A_42 = arith.addi %mul3A_2, %add3A_41 : i32
    "tpu.region"() ({
      %run_scoped3A = tpu.sem_alloc : memref<!tpu.dma_semaphore, #tpu.memory_space<semaphore_mem>>
      %dma_start3A_65 = tpu.memref_slice %arg3[%add3A_42] : memref<32768xi32, #tpu.memory_space<hbm>> -> memref<128xi32, #tpu.memory_space<hbm>>
      %dma_start3A_66 = tpu.memref_slice %arg3[%add3A_42] : memref<32768xi32, #tpu.memory_space<hbm>> -> memref<128xi32, #tpu.memory_space<hbm>>
      tpu.enqueue_dma source(%dma_start3A_66 : memref<128xi32, #tpu.memory_space<hbm>>) target(%arg5 : memref<128xi32, #tpu.memory_space<vmem>>) target_semaphore(%run_scoped3A : memref<!tpu.dma_semaphore, #tpu.memory_space<semaphore_mem>>)
      %dma_wait3A_67 = tpu.memref_slice %arg3[%add3A_42] : memref<32768xi32, #tpu.memory_space<hbm>> -> memref<128xi32, #tpu.memory_space<hbm>>
      %dma_wait3A_68 = tpu.memref_slice %arg3[%add3A_42] : memref<32768xi32, #tpu.memory_space<hbm>> -> memref<128xi32, #tpu.memory_space<hbm>>
      tpu.wait_dma2 semaphore(%run_scoped3A : memref<!tpu.dma_semaphore, #tpu.memory_space<semaphore_mem>>) src(%dma_wait3A_68 : memref<128xi32, #tpu.memory_space<hbm>>) dst(%arg5 : memref<128xi32, #tpu.memory_space<vmem>>)
      tpu.yield
    }) : () -> ()
    %dma_start3A_43 = arith.constant 0 : i32
    %dma_start3A_44 = arith.constant 0 : i32
    %dma_start3A_45 = tpu.memref_slice %arg2[%dma_start3A_43, %dma_start3A_44] : memref<1024x256xf32, #tpu.memory_space<hbm>> -> memref<1024x256xf32, #tpu.memory_space<hbm>>
    tpu.enqueue_indirect_dma source(%dma_start3A_45 : memref<1024x256xf32, #tpu.memory_space<hbm>>) target(%arg6 : memref<128x256xf32, #tpu.memory_space<vmem>>) offsets(%arg5 : memref<128xi32, #tpu.memory_space<vmem>>) semaphore(%arg7 : memref<!tpu.dma_semaphore, #tpu.memory_space<semaphore_mem>>)
    %dma_wait3A_46 = arith.constant 0 : i32
    %dma_wait3A_47 = arith.constant 0 : i32
    %dma_wait3A_48 = tpu.memref_slice %arg2[%dma_wait3A_46, %dma_wait3A_47] : memref<1024x256xf32, #tpu.memory_space<hbm>> -> memref<1024x256xf32, #tpu.memory_space<hbm>>
    tpu.wait_indirect_dma semaphore(%arg7 : memref<!tpu.dma_semaphore, #tpu.memory_space<semaphore_mem>>) src(%dma_wait3A_48 : memref<1024x256xf32, #tpu.memory_space<hbm>>) dst(%arg6 : memref<128x256xf32, #tpu.memory_space<vmem>>)
    "tpu.region"() ({
      %run_scoped3A = tpu.sem_alloc : memref<!tpu.dma_semaphore, #tpu.memory_space<semaphore_mem>>
      %dma_start3A_65 = arith.constant 0 : i32
      %dma_start3A_66 = tpu.memref_slice %arg4[%add3A_42, %dma_start3A_65] : memref<32768x256xf32, #tpu.memory_space<hbm>> -> memref<128x256xf32, #tpu.memory_space<hbm>>
      %dma_start3A_67 = arith.constant 0 : i32
      %dma_start3A_68 = tpu.memref_slice %arg4[%add3A_42, %dma_start3A_67] : memref<32768x256xf32, #tpu.memory_space<hbm>> -> memref<128x256xf32, #tpu.memory_space<hbm>>
      tpu.enqueue_dma source(%arg6 : memref<128x256xf32, #tpu.memory_space<vmem>>) target(%dma_start3A_68 : memref<128x256xf32, #tpu.memory_space<hbm>>) target_semaphore(%run_scoped3A : memref<!tpu.dma_semaphore, #tpu.memory_space<semaphore_mem>>)
      %dma_wait3A_69 = arith.constant 0 : i32
      %dma_wait3A_70 = tpu.memref_slice %arg4[%add3A_42, %dma_wait3A_69] : memref<32768x256xf32, #tpu.memory_space<hbm>> -> memref<128x256xf32, #tpu.memory_space<hbm>>
      %dma_wait3A_71 = arith.constant 0 : i32
      %dma_wait3A_72 = tpu.memref_slice %arg4[%add3A_42, %dma_wait3A_71] : memref<32768x256xf32, #tpu.memory_space<hbm>> -> memref<128x256xf32, #tpu.memory_space<hbm>>
      tpu.wait_dma2 semaphore(%run_scoped3A : memref<!tpu.dma_semaphore, #tpu.memory_space<semaphore_mem>>) src(%arg6 : memref<128x256xf32, #tpu.memory_space<vmem>>) dst(%dma_wait3A_72 : memref<128x256xf32, #tpu.memory_space<hbm>>)
      tpu.yield
    }) : () -> ()
    %add3A_49 = arith.constant 768 : i32
    %add3A_50 = arith.addi %mul3A_2, %add3A_49 : i32
    "tpu.region"() ({
      %run_scoped3A = tpu.sem_alloc : memref<!tpu.dma_semaphore, #tpu.memory_space<semaphore_mem>>
      %dma_start3A_65 = tpu.memref_slice %arg3[%add3A_50] : memref<32768xi32, #tpu.memory_space<hbm>> -> memref<128xi32, #tpu.memory_space<hbm>>
      %dma_start3A_66 = tpu.memref_slice %arg3[%add3A_50] : memref<32768xi32, #tpu.memory_space<hbm>> -> memref<128xi32, #tpu.memory_space<hbm>>
      tpu.enqueue_dma source(%dma_start3A_66 : memref<128xi32, #tpu.memory_space<hbm>>) target(%arg5 : memref<128xi32, #tpu.memory_space<vmem>>) target_semaphore(%run_scoped3A : memref<!tpu.dma_semaphore, #tpu.memory_space<semaphore_mem>>)
      %dma_wait3A_67 = tpu.memref_slice %arg3[%add3A_50] : memref<32768xi32, #tpu.memory_space<hbm>> -> memref<128xi32, #tpu.memory_space<hbm>>
      %dma_wait3A_68 = tpu.memref_slice %arg3[%add3A_50] : memref<32768xi32, #tpu.memory_space<hbm>> -> memref<128xi32, #tpu.memory_space<hbm>>
      tpu.wait_dma2 semaphore(%run_scoped3A : memref<!tpu.dma_semaphore, #tpu.memory_space<semaphore_mem>>) src(%dma_wait3A_68 : memref<128xi32, #tpu.memory_space<hbm>>) dst(%arg5 : memref<128xi32, #tpu.memory_space<vmem>>)
      tpu.yield
    }) : () -> ()
    %dma_start3A_51 = arith.constant 0 : i32
    %dma_start3A_52 = arith.constant 0 : i32
    %dma_start3A_53 = tpu.memref_slice %arg2[%dma_start3A_51, %dma_start3A_52] : memref<1024x256xf32, #tpu.memory_space<hbm>> -> memref<1024x256xf32, #tpu.memory_space<hbm>>
    tpu.enqueue_indirect_dma source(%dma_start3A_53 : memref<1024x256xf32, #tpu.memory_space<hbm>>) target(%arg6 : memref<128x256xf32, #tpu.memory_space<vmem>>) offsets(%arg5 : memref<128xi32, #tpu.memory_space<vmem>>) semaphore(%arg7 : memref<!tpu.dma_semaphore, #tpu.memory_space<semaphore_mem>>)
    %dma_wait3A_54 = arith.constant 0 : i32
    %dma_wait3A_55 = arith.constant 0 : i32
    %dma_wait3A_56 = tpu.memref_slice %arg2[%dma_wait3A_54, %dma_wait3A_55] : memref<1024x256xf32, #tpu.memory_space<hbm>> -> memref<1024x256xf32, #tpu.memory_space<hbm>>
    tpu.wait_indirect_dma semaphore(%arg7 : memref<!tpu.dma_semaphore, #tpu.memory_space<semaphore_mem>>) src(%dma_wait3A_56 : memref<1024x256xf32, #tpu.memory_space<hbm>>) dst(%arg6 : memref<128x256xf32, #tpu.memory_space<vmem>>)
    "tpu.region"() ({
      %run_scoped3A = tpu.sem_alloc : memref<!tpu.dma_semaphore, #tpu.memory_space<semaphore_mem>>
      %dma_start3A_65 = arith.constant 0 : i32
      %dma_start3A_66 = tpu.memref_slice %arg4[%add3A_50, %dma_start3A_65] : memref<32768x256xf32, #tpu.memory_space<hbm>> -> memref<128x256xf32, #tpu.memory_space<hbm>>
      %dma_start3A_67 = arith.constant 0 : i32
      %dma_start3A_68 = tpu.memref_slice %arg4[%add3A_50, %dma_start3A_67] : memref<32768x256xf32, #tpu.memory_space<hbm>> -> memref<128x256xf32, #tpu.memory_space<hbm>>
      tpu.enqueue_dma source(%arg6 : memref<128x256xf32, #tpu.memory_space<vmem>>) target(%dma_start3A_68 : memref<128x256xf32, #tpu.memory_space<hbm>>) target_semaphore(%run_scoped3A : memref<!tpu.dma_semaphore, #tpu.memory_space<semaphore_mem>>)
      %dma_wait3A_69 = arith.constant 0 : i32
      %dma_wait3A_70 = tpu.memref_slice %arg4[%add3A_50, %dma_wait3A_69] : memref<32768x256xf32, #tpu.memory_space<hbm>> -> memref<128x256xf32, #tpu.memory_space<hbm>>
      %dma_wait3A_71 = arith.constant 0 : i32
      %dma_wait3A_72 = tpu.memref_slice %arg4[%add3A_50, %dma_wait3A_71] : memref<32768x256xf32, #tpu.memory_space<hbm>> -> memref<128x256xf32, #tpu.memory_space<hbm>>
      tpu.wait_dma2 semaphore(%run_scoped3A : memref<!tpu.dma_semaphore, #tpu.memory_space<semaphore_mem>>) src(%arg6 : memref<128x256xf32, #tpu.memory_space<vmem>>) dst(%dma_wait3A_72 : memref<128x256xf32, #tpu.memory_space<hbm>>)
      tpu.yield
    }) : () -> ()
    %add3A_57 = arith.constant 896 : i32
    %add3A_58 = arith.addi %mul3A_2, %add3A_57 : i32
    "tpu.region"() ({
      %run_scoped3A = tpu.sem_alloc : memref<!tpu.dma_semaphore, #tpu.memory_space<semaphore_mem>>
      %dma_start3A_65 = tpu.memref_slice %arg3[%add3A_58] : memref<32768xi32, #tpu.memory_space<hbm>> -> memref<128xi32, #tpu.memory_space<hbm>>
      %dma_start3A_66 = tpu.memref_slice %arg3[%add3A_58] : memref<32768xi32, #tpu.memory_space<hbm>> -> memref<128xi32, #tpu.memory_space<hbm>>
      tpu.enqueue_dma source(%dma_start3A_66 : memref<128xi32, #tpu.memory_space<hbm>>) target(%arg5 : memref<128xi32, #tpu.memory_space<vmem>>) target_semaphore(%run_scoped3A : memref<!tpu.dma_semaphore, #tpu.memory_space<semaphore_mem>>)
      %dma_wait3A_67 = tpu.memref_slice %arg3[%add3A_58] : memref<32768xi32, #tpu.memory_space<hbm>> -> memref<128xi32, #tpu.memory_space<hbm>>
      %dma_wait3A_68 = tpu.memref_slice %arg3[%add3A_58] : memref<32768xi32, #tpu.memory_space<hbm>> -> memref<128xi32, #tpu.memory_space<hbm>>
      tpu.wait_dma2 semaphore(%run_scoped3A : memref<!tpu.dma_semaphore, #tpu.memory_space<semaphore_mem>>) src(%dma_wait3A_68 : memref<128xi32, #tpu.memory_space<hbm>>) dst(%arg5 : memref<128xi32, #tpu.memory_space<vmem>>)
      tpu.yield
    }) : () -> ()
    %dma_start3A_59 = arith.constant 0 : i32
    %dma_start3A_60 = arith.constant 0 : i32
    %dma_start3A_61 = tpu.memref_slice %arg2[%dma_start3A_59, %dma_start3A_60] : memref<1024x256xf32, #tpu.memory_space<hbm>> -> memref<1024x256xf32, #tpu.memory_space<hbm>>
    tpu.enqueue_indirect_dma source(%dma_start3A_61 : memref<1024x256xf32, #tpu.memory_space<hbm>>) target(%arg6 : memref<128x256xf32, #tpu.memory_space<vmem>>) offsets(%arg5 : memref<128xi32, #tpu.memory_space<vmem>>) semaphore(%arg7 : memref<!tpu.dma_semaphore, #tpu.memory_space<semaphore_mem>>)
    %dma_wait3A_62 = arith.constant 0 : i32
    %dma_wait3A_63 = arith.constant 0 : i32
    %dma_wait3A_64 = tpu.memref_slice %arg2[%dma_wait3A_62, %dma_wait3A_63] : memref<1024x256xf32, #tpu.memory_space<hbm>> -> memref<1024x256xf32, #tpu.memory_space<hbm>>
    tpu.wait_indirect_dma semaphore(%arg7 : memref<!tpu.dma_semaphore, #tpu.memory_space<semaphore_mem>>) src(%dma_wait3A_64 : memref<1024x256xf32, #tpu.memory_space<hbm>>) dst(%arg6 : memref<128x256xf32, #tpu.memory_space<vmem>>)
    "tpu.region"() ({
      %run_scoped3A = tpu.sem_alloc : memref<!tpu.dma_semaphore, #tpu.memory_space<semaphore_mem>>
      %dma_start3A_65 = arith.constant 0 : i32
      %dma_start3A_66 = tpu.memref_slice %arg4[%add3A_58, %dma_start3A_65] : memref<32768x256xf32, #tpu.memory_space<hbm>> -> memref<128x256xf32, #tpu.memory_space<hbm>>
      %dma_start3A_67 = arith.constant 0 : i32
      %dma_start3A_68 = tpu.memref_slice %arg4[%add3A_58, %dma_start3A_67] : memref<32768x256xf32, #tpu.memory_space<hbm>> -> memref<128x256xf32, #tpu.memory_space<hbm>>
      tpu.enqueue_dma source(%arg6 : memref<128x256xf32, #tpu.memory_space<vmem>>) target(%dma_start3A_68 : memref<128x256xf32, #tpu.memory_space<hbm>>) target_semaphore(%run_scoped3A : memref<!tpu.dma_semaphore, #tpu.memory_space<semaphore_mem>>)
      %dma_wait3A_69 = arith.constant 0 : i32
      %dma_wait3A_70 = tpu.memref_slice %arg4[%add3A_58, %dma_wait3A_69] : memref<32768x256xf32, #tpu.memory_space<hbm>> -> memref<128x256xf32, #tpu.memory_space<hbm>>
      %dma_wait3A_71 = arith.constant 0 : i32
      %dma_wait3A_72 = tpu.memref_slice %arg4[%add3A_58, %dma_wait3A_71] : memref<32768x256xf32, #tpu.memory_space<hbm>> -> memref<128x256xf32, #tpu.memory_space<hbm>>
      tpu.wait_dma2 semaphore(%run_scoped3A : memref<!tpu.dma_semaphore, #tpu.memory_space<semaphore_mem>>) src(%arg6 : memref<128x256xf32, #tpu.memory_space<vmem>>) dst(%dma_wait3A_72 : memref<128x256xf32, #tpu.memory_space<hbm>>)
      tpu.yield
    }) : () -> ()
    return
  }
}

module attributes {stable_mosaic.version = 14 : i64} {
  func.func @_tc_add(%arg0: i32, %arg1: memref<1x2048x256xf32, #tpu.memory_space<vmem>>, %arg2: memref<1x2048x256xf32, #tpu.memory_space<vmem>>, %arg3: memref<1x2048x256xf32, #tpu.memory_space<vmem>>) attributes {dimension_semantics = [#tpu.dimension_semantics<arbitrary>], iteration_bounds = array<i64: 16>, scalar_prefetch = 0 : i64, scratch_operands = 0 : i64, tpu.core_type = #tpu.core_type<tc>, window_params = [{transform_indices = @transform_0, window_bounds = array<i64: 1, 2048, 256>}, {transform_indices = @transform_1, window_bounds = array<i64: 1, 2048, 256>}, {transform_indices = @transform_2, window_bounds = array<i64: 1, 2048, 256>}]} {
    %get3A = arith.constant 0 : index
    %get3A_0 = arith.constant 0 : index
    %get3A_1 = arith.constant 0 : index
    %get3A_2 = vector.load %arg1[%get3A, %get3A_0, %get3A_1] : memref<1x2048x256xf32, #tpu.memory_space<vmem>>, vector<1x2048x256xf32>
    %get3A_3 = vector.shape_cast %get3A_2 : vector<1x2048x256xf32> to vector<2048x256xf32>
    %get3A_4 = arith.constant 0 : index
    %get3A_5 = arith.constant 0 : index
    %get3A_6 = arith.constant 0 : index
    %get3A_7 = vector.load %arg2[%get3A_4, %get3A_5, %get3A_6] : memref<1x2048x256xf32, #tpu.memory_space<vmem>>, vector<1x2048x256xf32>
    %get3A_8 = vector.shape_cast %get3A_7 : vector<1x2048x256xf32> to vector<2048x256xf32>
    %add3A = arith.addf %get3A_3, %get3A_8 : vector<2048x256xf32>
    %swap3A = arith.constant 0 : index
    %swap3A_9 = arith.constant 0 : index
    %swap3A_10 = arith.constant 0 : index
    %swap3A_11 = vector.load %arg3[%swap3A, %swap3A_9, %swap3A_10] : memref<1x2048x256xf32, #tpu.memory_space<vmem>>, vector<1x2048x256xf32>
    %swap3A_12 = vector.shape_cast %swap3A_11 : vector<1x2048x256xf32> to vector<2048x256xf32>
    %swap3A_13 = vector.shape_cast %add3A : vector<2048x256xf32> to vector<1x2048x256xf32>
    tpu.vector_store %arg3[%swap3A, %swap3A_9, %swap3A_10], %swap3A_13 {strides = array<i32>} : memref<1x2048x256xf32, #tpu.memory_space<vmem>>, vector<1x2048x256xf32>,
    return
  }
  func.func @transform_0(%arg0: i32) -> (i32, i32, i32) {
    %c0_i32 = arith.constant 0 : i32
    %c0_i32_0 = arith.constant 0 : i32
    %c0_i32_1 = arith.constant 0 : i32
    return %arg0, %c0_i32, %c0_i32_0 : i32, i32, i32
  }
  func.func @transform_1(%arg0: i32) -> (i32, i32, i32) {
    %c0_i32 = arith.constant 0 : i32
    %c0_i32_0 = arith.constant 0 : i32
    %c0_i32_1 = arith.constant 0 : i32
    return %arg0, %c0_i32, %c0_i32_0 : i32, i32, i32
  }
  func.func @transform_2(%arg0: i32) -> (i32, i32, i32) {
    %c0_i32 = arith.constant 0 : i32
    %c0_i32_0 = arith.constant 0 : i32
    %c0_i32_1 = arith.constant 0 : i32
    return %arg0, %c0_i32, %c0_i32_0 : i32, i32, i32
  }
}

module attributes {stable_mosaic.version = 14 : i64} {
  func.func @_tc_a(%arg0: i32, %arg1: memref<1x2048x256xf32, #tpu.memory_space<vmem>>, %arg2: memref<1x2048x256xf32, #tpu.memory_space<vmem>>, %arg3: memref<256x256xf32, #tpu.memory_space<vmem>>, %arg4: memref<1x256xf32, #tpu.memory_space<vmem>>, %arg5: memref<256x256xf32, #tpu.memory_space<vmem>>, %arg6: memref<1x256xf32, #tpu.memory_space<vmem>>, %arg7: memref<1024x256xf32, #tpu.memory_space<vmem>>, %arg8: memref<1x2048x256xf32, #tpu.memory_space<vmem>>, %arg9: memref<1x1x2048xi32, #tpu.memory_space<vmem>>, %arg10: memref<1x1x1xf32, #tpu.memory_space<vmem>>, %arg11: memref<1x1x1xf32, #tpu.memory_space<vmem>>, %arg12: memref<1024x256xf32, #tpu.memory_space<vmem>>, %arg13: memref<1024x2048xf32, #tpu.memory_space<vmem>>) attributes {dimension_semantics = [#tpu.dimension_semantics<arbitrary>], iteration_bounds = array<i64: 16>, scalar_prefetch = 0 : i64, scratch_operands = 1 : i64, tpu.core_type = #tpu.core_type<tc>, window_params = [{transform_indices = @transform_0, window_bounds = array<i64: 1, 2048, 256>}, {transform_indices = @transform_1, window_bounds = array<i64: 1, 2048, 256>}, {pipeline_mode = #tpu.pipeline_mode<synchronous>, transform_indices = @transform_2, window_bounds = array<i64: 256, 256>}, {pipeline_mode = #tpu.pipeline_mode<synchronous>, transform_indices = @transform_3, window_bounds = array<i64: 1, 256>}, {pipeline_mode = #tpu.pipeline_mode<synchronous>, transform_indices = @transform_4, window_bounds = array<i64: 256, 256>}, {pipeline_mode = #tpu.pipeline_mode<synchronous>, transform_indices = @transform_5, window_bounds = array<i64: 1, 256>}, {pipeline_mode = #tpu.pipeline_mode<synchronous>, transform_indices = @transform_6, window_bounds = array<i64: 1024, 256>}, {transform_indices = @transform_7, window_bounds = array<i64: 1, 2048, 256>}, {transform_indices = @transform_8, window_bounds = array<i64: 1, 1, 2048>}, {transform_indices = @transform_9, window_bounds = array<i64: 1, 1, 1>}, {transform_indices = @transform_10, window_bounds = array<i64: 1, 1, 1>}, {pipeline_mode = #tpu.pipeline_mode<synchronous>, transform_indices = @transform_11, window_bounds = array<i64: 1024, 256>}]} {
    %eq3A = arith.constant 0 : i32
    %eq3A_0 = arith.cmpi eq, %arg0, %eq3A : i32
    %convert_element_type3A = arith.extui %eq3A_0 : i1 to i32
    %cond3A = arith.constant 0 : i32
    %cond3A_1 = arith.cmpi ne, %convert_element_type3A, %cond3A : i32
    scf.if %cond3A_1 {
      %get3A_106 = arith.constant 0 : index
      %get3A_107 = arith.constant 0 : index
      %get3A_108 = vector.load %arg7[%get3A_106, %get3A_107] : memref<1024x256xf32, #tpu.memory_space<vmem>>, vector<1024x256xf32>
      %mul3A_109 = arith.mulf %get3A_108, %get3A_108 : vector<1024x256xf32>
      %reduce_sum3A_110 = arith.constant dense<0.000000e+00> : vector<1024xf32>
      %reduce_sum3A_111 = vector.multi_reduction <add>, %mul3A_109, %reduce_sum3A_110 [1] : vector<1024x256xf32> to vector<1024xf32>
      %broadcast_in_dim3A_112 = vector.shape_cast %reduce_sum3A_111 : vector<1024xf32> to vector<1024x1xf32>
      %mul3A_113 = arith.constant 5.000000e-01 : f32
      %mul3A_114 = vector.broadcast %mul3A_113 : f32 to vector<1024x1xf32>
      %mul3A_115 = arith.mulf %broadcast_in_dim3A_112, %mul3A_114 : vector<1024x1xf32>
      %broadcast_in_dim3A_116 = vector.shape_cast %mul3A_115 : vector<1024x1xf32> to vector<1024x1xf32>
      %broadcast_in_dim3A_117 = vector.broadcast %broadcast_in_dim3A_116 : vector<1024x1xf32> to vector<1024x2048xf32>
      %swap3A_118 = arith.constant 0 : index
      %swap3A_119 = arith.constant 0 : index
      %swap3A_120 = vector.load %arg13[%swap3A_118, %swap3A_119] : memref<1024x2048xf32, #tpu.memory_space<vmem>>, vector<1024x2048xf32>
      tpu.vector_store %arg13[%swap3A_118, %swap3A_119], %broadcast_in_dim3A_117 {strides = array<i32>} : memref<1024x2048xf32, #tpu.memory_space<vmem>>, vector<1024x2048xf32>,
      %get3A_121 = arith.constant 0 : index
      %get3A_122 = arith.constant 0 : index
      %get3A_123 = vector.load %arg5[%get3A_121, %get3A_122] : memref<256x256xf32, #tpu.memory_space<vmem>>, vector<256x256xf32>
      %dot_general3A_124 = arith.constant dense<0.000000e+00> : vector<1024x256xf32>
      %dot_general3A_125 = tpu.matmul %get3A_108, %get3A_123, %dot_general3A_124 {dimension_numbers = #tpu.dot_dimension_numbers<[1], [0], [0], [1], [0, 0, 1, 1], [], []>, transpose_lhs_hint = false} : vector<1024x256xf32>, vector<256x256xf32>, vector<1024x256xf32> -> vector<1024x256xf32>
      %swap3A_126 = arith.constant 0 : index
      %swap3A_127 = arith.constant 0 : index
      %swap3A_128 = vector.load %arg12[%swap3A_126, %swap3A_127] : memref<1024x256xf32, #tpu.memory_space<vmem>>, vector<1024x256xf32>
      tpu.vector_store %arg12[%swap3A_126, %swap3A_127], %dot_general3A_125 {strides = array<i32>} : memref<1024x256xf32, #tpu.memory_space<vmem>>, vector<1024x256xf32>,
    } else {
    }
    %get3A = arith.constant 0 : index
    %get3A_2 = arith.constant 0 : index
    %get3A_3 = arith.constant 0 : index
    %get3A_4 = vector.load %arg1[%get3A, %get3A_2, %get3A_3] : memref<1x2048x256xf32, #tpu.memory_space<vmem>>, vector<1x2048x256xf32>
    %get3A_5 = vector.shape_cast %get3A_4 : vector<1x2048x256xf32> to vector<2048x256xf32>
    %get3A_6 = arith.constant 0 : index
    %get3A_7 = arith.constant 0 : index
    %get3A_8 = arith.constant 0 : index
    %get3A_9 = vector.load %arg2[%get3A_6, %get3A_7, %get3A_8] : memref<1x2048x256xf32, #tpu.memory_space<vmem>>, vector<1x2048x256xf32>
    %get3A_10 = vector.shape_cast %get3A_9 : vector<1x2048x256xf32> to vector<2048x256xf32>
    %sub3A = arith.subf %get3A_5, %get3A_10 : vector<2048x256xf32>
    %get3A_11 = arith.constant 0 : index
    %get3A_12 = arith.constant 0 : index
    %get3A_13 = vector.load %arg3[%get3A_11, %get3A_12] : memref<256x256xf32, #tpu.memory_space<vmem>>, vector<256x256xf32>
    %dot_general3A = arith.constant dense<0.000000e+00> : vector<2048x256xf32>
    %dot_general3A_14 = tpu.matmul %sub3A, %get3A_13, %dot_general3A {dimension_numbers = #tpu.dot_dimension_numbers<[1], [0], [0], [1], [0, 0, 1, 1], [], []>, transpose_lhs_hint = false} : vector<2048x256xf32>, vector<256x256xf32>, vector<2048x256xf32> -> vector<2048x256xf32>
    %get3A_15 = arith.constant 0 : index
    %get3A_16 = arith.constant 0 : index
    %get3A_17 = vector.load %arg4[%get3A_15, %get3A_16] : memref<1x256xf32, #tpu.memory_space<vmem>>, vector<1x256xf32>
    %add3A = vector.broadcast %get3A_17 : vector<1x256xf32> to vector<2048x256xf32>
    %add3A_18 = arith.addf %dot_general3A_14, %add3A : vector<2048x256xf32>
    %get3A_19 = arith.constant 0 : index
    %get3A_20 = arith.constant 0 : index
    %get3A_21 = vector.load %arg7[%get3A_19, %get3A_20] : memref<1024x256xf32, #tpu.memory_space<vmem>>, vector<1024x256xf32>
    %dot_general3A_22 = arith.constant dense<0.000000e+00> : vector<1024x2048xf32>
    %dot_general3A_23 = tpu.matmul %get3A_21, %add3A_18, %dot_general3A_22 {dimension_numbers = #tpu.dot_dimension_numbers<[1], [1], [0], [0], [0, 0, 1, 0], [], []>, transpose_lhs_hint = false} : vector<1024x256xf32>, vector<2048x256xf32>, vector<1024x2048xf32> -> vector<1024x2048xf32>
    %get3A_24 = arith.constant 0 : index
    %get3A_25 = arith.constant 0 : index
    %get3A_26 = vector.load %arg13[%get3A_24, %get3A_25] : memref<1024x2048xf32, #tpu.memory_space<vmem>>, vector<1024x2048xf32>
    %sub3A_27 = arith.subf %dot_general3A_23, %get3A_26 : vector<1024x2048xf32>
    %argmax3A = tpu.reduce_index %sub3A_27 {axis = 0 : i32, kind = #tpu.reduction_kind<arg_max>} : vector<1024x2048xf32> -> vector<2048xi32>
    %reduce_max3A = arith.constant dense<0xFF800000> : vector<2048xf32>
    %reduce_max3A_28 = vector.multi_reduction <maximumf>, %sub3A_27, %reduce_max3A [0] : vector<1024x2048xf32> to vector<2048xf32>
    %broadcast_in_dim3A = vector.shape_cast %reduce_max3A_28 : vector<2048xf32> to vector<1x2048xf32>
    %mul3A = arith.mulf %add3A_18, %add3A_18 : vector<2048x256xf32>
    %broadcast_in_dim3A_29 = arith.constant 1.000000e+00 : f32
    %broadcast_in_dim3A_30 = vector.broadcast %broadcast_in_dim3A_29 : f32 to vector<256x1xf32>
    %dot_general3A_31 = arith.constant dense<0.000000e+00> : vector<2048x1xf32>
    %dot_general3A_32 = tpu.matmul %mul3A, %broadcast_in_dim3A_30, %dot_general3A_31 {dimension_numbers = #tpu.dot_dimension_numbers<[1], [0], [0], [1], [0, 0, 1, 1], [], []>, transpose_lhs_hint = false} : vector<2048x256xf32>, vector<256x1xf32>, vector<2048x1xf32> -> vector<2048x1xf32>
    %swap3A = arith.constant 0 : index
    %swap3A_33 = arith.constant 0 : index
    %swap3A_34 = arith.constant 0 : index
    %swap3A_35 = vector.load %arg9[%swap3A, %swap3A_33, %swap3A_34] : memref<1x1x2048xi32, #tpu.memory_space<vmem>>, vector<1x1x2048xi32>
    %swap3A_36 = vector.shape_cast %swap3A_35 : vector<1x1x2048xi32> to vector<2048xi32>
    %swap3A_37 = vector.shape_cast %argmax3A : vector<2048xi32> to vector<1x1x2048xi32>
    tpu.vector_store %arg9[%swap3A, %swap3A_33, %swap3A_34], %swap3A_37 {strides = array<i32>} : memref<1x1x2048xi32, #tpu.memory_space<vmem>>, vector<1x1x2048xi32>,
    %iota3A = tpu.iota {dimensions = array<i32: 0>} : vector<1024x2048xi32>
    %broadcast_in_dim3A_38 = vector.shape_cast %argmax3A : vector<2048xi32> to vector<1x2048xi32>
    %eq3A_39 = vector.broadcast %broadcast_in_dim3A_38 : vector<1x2048xi32> to vector<1024x2048xi32>
    %eq3A_40 = arith.cmpi eq, %iota3A, %eq3A_39 : vector<1024x2048xi32>
    %convert_element_type3A_41 = arith.extui %eq3A_40 : vector<1024x2048xi1> to vector<1024x2048xi32>
    %convert_element_type3A_42 = arith.sitofp %convert_element_type3A_41 : vector<1024x2048xi32> to vector<1024x2048xf32>
    %broadcast_in_dim3A_43 = arith.constant 1.000000e+00 : f32
    %broadcast_in_dim3A_44 = vector.broadcast %broadcast_in_dim3A_43 : f32 to vector<2048x1xf32>
    %dot_general3A_45 = arith.constant dense<0.000000e+00> : vector<1024x1xf32>
    %dot_general3A_46 = tpu.matmul %convert_element_type3A_42, %broadcast_in_dim3A_44, %dot_general3A_45 {dimension_numbers = #tpu.dot_dimension_numbers<[1], [0], [0], [1], [0, 0, 1, 1], [], []>, transpose_lhs_hint = false} : vector<1024x2048xf32>, vector<2048x1xf32>, vector<1024x1xf32> -> vector<1024x1xf32>
    %get3A_47 = arith.constant 0 : index
    %get3A_48 = arith.constant 0 : index
    %get3A_49 = arith.constant 0 : index
    %get3A_50 = vector.load %arg2[%get3A_47, %get3A_48, %get3A_49] : memref<1x2048x256xf32, #tpu.memory_space<vmem>>, vector<1x2048x256xf32>
    %get3A_51 = vector.shape_cast %get3A_50 : vector<1x2048x256xf32> to vector<2048x256xf32>
    %get3A_52 = arith.constant 0 : index
    %get3A_53 = arith.constant 0 : index
    %get3A_54 = vector.load %arg5[%get3A_52, %get3A_53] : memref<256x256xf32, #tpu.memory_space<vmem>>, vector<256x256xf32>
    %dot_general3A_55 = arith.constant dense<0.000000e+00> : vector<2048x256xf32>
    %dot_general3A_56 = tpu.matmul %get3A_51, %get3A_54, %dot_general3A_55 {dimension_numbers = #tpu.dot_dimension_numbers<[1], [0], [0], [1], [0, 0, 1, 1], [], []>, transpose_lhs_hint = false} : vector<2048x256xf32>, vector<256x256xf32>, vector<2048x256xf32> -> vector<2048x256xf32>
    %get3A_57 = arith.constant 0 : index
    %get3A_58 = arith.constant 0 : index
    %get3A_59 = vector.load %arg6[%get3A_57, %get3A_58] : memref<1x256xf32, #tpu.memory_space<vmem>>, vector<1x256xf32>
    %add3A_60 = vector.broadcast %get3A_59 : vector<1x256xf32> to vector<2048x256xf32>
    %add3A_61 = arith.addf %dot_general3A_56, %add3A_60 : vector<2048x256xf32>
    %swap3A_62 = arith.constant 0 : index
    %swap3A_63 = arith.constant 0 : index
    %swap3A_64 = arith.constant 0 : index
    %swap3A_65 = vector.load %arg8[%swap3A_62, %swap3A_63, %swap3A_64] : memref<1x2048x256xf32, #tpu.memory_space<vmem>>, vector<1x2048x256xf32>
    %swap3A_66 = vector.shape_cast %swap3A_65 : vector<1x2048x256xf32> to vector<2048x256xf32>
    %swap3A_67 = vector.shape_cast %add3A_61 : vector<2048x256xf32> to vector<1x2048x256xf32>
    tpu.vector_store %arg8[%swap3A_62, %swap3A_63, %swap3A_64], %swap3A_67 {strides = array<i32>} : memref<1x2048x256xf32, #tpu.memory_space<vmem>>, vector<1x2048x256xf32>,
    %reduce_sum3A = vector.shape_cast %dot_general3A_32 : vector<2048x1xf32> to vector<1x2048x1xf32>
    %reduce_sum3A_68 = arith.constant dense<0.000000e+00> : vector<1xf32>
    %reduce_sum3A_69 = vector.multi_reduction <add>, %reduce_sum3A, %reduce_sum3A_68 [1, 2] : vector<1x2048x1xf32> to vector<1xf32>
    %reduce_sum3A_70 = vector.shape_cast %reduce_sum3A_69 : vector<1xf32> to vector<1x1x1xf32>
    %reduce_sum3A_71 = vector.extract %reduce_sum3A_70[0, 0, 0] : f32 from vector<1x1x1xf32>
    %reduce_sum3A_72 = vector.shape_cast %broadcast_in_dim3A : vector<1x2048xf32> to vector<1x1x2048xf32>
    %reduce_sum3A_73 = arith.constant dense<0.000000e+00> : vector<1xf32>
    %reduce_sum3A_74 = vector.multi_reduction <add>, %reduce_sum3A_72, %reduce_sum3A_73 [1, 2] : vector<1x1x2048xf32> to vector<1xf32>
    %reduce_sum3A_75 = vector.shape_cast %reduce_sum3A_74 : vector<1xf32> to vector<1x1x1xf32>
    %reduce_sum3A_76 = vector.extract %reduce_sum3A_75[0, 0, 0] : f32 from vector<1x1x1xf32>
    %mul3A_77 = arith.constant 2.000000e+00 : f32
    %mul3A_78 = arith.mulf %mul3A_77, %reduce_sum3A_76 : f32
    %sub3A_79 = arith.subf %reduce_sum3A_71, %mul3A_78 : f32
    %mul3A_80 = arith.constant 1.90734863E-6 : f32
    %mul3A_81 = arith.mulf %sub3A_79, %mul3A_80 : f32
    %reshape3A = vector.broadcast %mul3A_81 : f32 to vector<1x1x1xf32>
    %swap3A_82 = arith.constant 0 : index
    %swap3A_83 = arith.constant 0 : index
    %swap3A_84 = arith.constant 0 : index
    %swap3A_85 = vector.load %arg10[%swap3A_82, %swap3A_83, %swap3A_84] : memref<1x1x1xf32, #tpu.memory_space<vmem>>, vector<1x1x1xf32>
    tpu.vector_store %arg10[%swap3A_82, %swap3A_83, %swap3A_84], %reshape3A {strides = array<i32>} : memref<1x1x1xf32, #tpu.memory_space<vmem>>, vector<1x1x1xf32>,
    %mul3A_86 = arith.constant 4.8828125E-4 : f32
    %mul3A_87 = vector.broadcast %mul3A_86 : f32 to vector<1024x1xf32>
    %mul3A_88 = arith.mulf %dot_general3A_46, %mul3A_87 : vector<1024x1xf32>
    %mul3A_89 = arith.constant 1.024000e+03 : f32
    %mul3A_90 = vector.broadcast %mul3A_89 : f32 to vector<1024x1xf32>
    %mul3A_91 = arith.mulf %mul3A_88, %mul3A_90 : vector<1024x1xf32>
    %add3A_92 = arith.constant 1.000000e-10 : f32
    %add3A_93 = vector.broadcast %add3A_92 : f32 to vector<1024x1xf32>
    %add3A_94 = arith.addf %mul3A_91, %add3A_93 : vector<1024x1xf32>
    %log3A = math.log %add3A_94 : vector<1024x1xf32>
    %mul3A_95 = arith.mulf %mul3A_88, %log3A : vector<1024x1xf32>
    %reduce_sum3A_96 = vector.shape_cast %mul3A_95 : vector<1024x1xf32> to vector<1x1024x1xf32>
    %reduce_sum3A_97 = arith.constant dense<0.000000e+00> : vector<1xf32>
    %reduce_sum3A_98 = vector.multi_reduction <add>, %reduce_sum3A_96, %reduce_sum3A_97 [1, 2] : vector<1x1024x1xf32> to vector<1xf32>
    %reduce_sum3A_99 = vector.shape_cast %reduce_sum3A_98 : vector<1xf32> to vector<1x1x1xf32>
    %reduce_sum3A_100 = vector.extract %reduce_sum3A_99[0, 0, 0] : f32 from vector<1x1x1xf32>
    %reshape3A_101 = vector.broadcast %reduce_sum3A_100 : f32 to vector<1x1x1xf32>
    %swap3A_102 = arith.constant 0 : index
    %swap3A_103 = arith.constant 0 : index
    %swap3A_104 = arith.constant 0 : index
    %swap3A_105 = vector.load %arg11[%swap3A_102, %swap3A_103, %swap3A_104] : memref<1x1x1xf32, #tpu.memory_space<vmem>>, vector<1x1x1xf32>
    tpu.vector_store %arg11[%swap3A_102, %swap3A_103, %swap3A_104], %reshape3A_101 {strides = array<i32>} : memref<1x1x1xf32, #tpu.memory_space<vmem>>, vector<1x1x1xf32>,
    return
  }
  func.func @transform_0(%arg0: i32) -> (i32, i32, i32) {
    %c0_i32 = arith.constant 0 : i32
    %c0_i32_0 = arith.constant 0 : i32
    %c0_i32_1 = arith.constant 0 : i32
    return %arg0, %c0_i32, %c0_i32_0 : i32, i32, i32
  }
  func.func @transform_1(%arg0: i32) -> (i32, i32, i32) {
    %c0_i32 = arith.constant 0 : i32
    %c0_i32_0 = arith.constant 0 : i32
    %c0_i32_1 = arith.constant 0 : i32
    return %arg0, %c0_i32, %c0_i32_0 : i32, i32, i32
  }
  func.func @transform_2(%arg0: i32) -> (i32, i32) {
    %c0_i32 = arith.constant 0 : i32
    %c0_i32_0 = arith.constant 0 : i32
    %c0_i32_1 = arith.constant 0 : i32
    return %c0_i32, %c0_i32_0 : i32, i32
  }
  func.func @transform_3(%arg0: i32) -> (i32, i32) {
    %c0_i32 = arith.constant 0 : i32
    %c0_i32_0 = arith.constant 0 : i32
    %c0_i32_1 = arith.constant 0 : i32
    return %c0_i32, %c0_i32_0 : i32, i32
  }
  func.func @transform_4(%arg0: i32) -> (i32, i32) {
    %c0_i32 = arith.constant 0 : i32
    %c0_i32_0 = arith.constant 0 : i32
    %c0_i32_1 = arith.constant 0 : i32
    return %c0_i32, %c0_i32_0 : i32, i32
  }
  func.func @transform_5(%arg0: i32) -> (i32, i32) {
    %c0_i32 = arith.constant 0 : i32
    %c0_i32_0 = arith.constant 0 : i32
    %c0_i32_1 = arith.constant 0 : i32
    return %c0_i32, %c0_i32_0 : i32, i32
  }
  func.func @transform_6(%arg0: i32) -> (i32, i32) {
    %c0_i32 = arith.constant 0 : i32
    %c0_i32_0 = arith.constant 0 : i32
    %c0_i32_1 = arith.constant 0 : i32
    return %c0_i32, %c0_i32_0 : i32, i32
  }
  func.func @transform_7(%arg0: i32) -> (i32, i32, i32) {
    %c0_i32 = arith.constant 0 : i32
    %c0_i32_0 = arith.constant 0 : i32
    %c0_i32_1 = arith.constant 0 : i32
    return %arg0, %c0_i32, %c0_i32_0 : i32, i32, i32
  }
  func.func @transform_8(%arg0: i32) -> (i32, i32, i32) {
    %c0_i32 = arith.constant 0 : i32
    %c0_i32_0 = arith.constant 0 : i32
    %c0_i32_1 = arith.constant 0 : i32
    return %arg0, %c0_i32, %c0_i32_0 : i32, i32, i32
  }
  func.func @transform_9(%arg0: i32) -> (i32, i32, i32) {
    %c0_i32 = arith.constant 0 : i32
    %c0_i32_0 = arith.constant 0 : i32
    %c0_i32_1 = arith.constant 0 : i32
    return %arg0, %c0_i32, %c0_i32_0 : i32, i32, i32
  }
  func.func @transform_10(%arg0: i32) -> (i32, i32, i32) {
    %c0_i32 = arith.constant 0 : i32
    %c0_i32_0 = arith.constant 0 : i32
    %c0_i32_1 = arith.constant 0 : i32
    return %arg0, %c0_i32, %c0_i32_0 : i32, i32, i32
  }
  func.func @transform_11(%arg0: i32) -> (i32, i32) {
    %c0_i32 = arith.constant 0 : i32
    %c0_i32_0 = arith.constant 0 : i32
    %c0_i32_1 = arith.constant 0 : i32
    return %c0_i32, %c0_i32_0 : i32, i32
  }
}

</mosaic_0001>

<sc_bundles>
// kernel: kernel.5.cloned.1.call-start
scs
__scs_entry_jumppad:
0x0: {  	(pc) =	sbr.rel $0x88, $3  }
0x1: {  	(tag) =	ssettag $0x0;
	lr =	simm.s32 $0x1  }
0x2: {  	[smem:$0x3F9A] =	sst lr;
	_ =	strace $0xD0000000  }
0x3: {  	_ = 	snop  }
0x4: {  	_ = 	snop  }
0x5: {  	_ = 	snop  }
0x6: {  	_ = 	snop  }
0x7: {  	_ = 	snop  }
__scs_overlays_trampoline_lowered:
0x8: {  	[smem:$0x3FA9] =	sst s0  }
0x9: {  	[smem:$0x3FAA] =	sst s1  }
0xa: {  	[smem:$0x3FAB] =	sst s2  }
0xb: {  	[smem:$0x3FAC] =	sst s3  }
0xc: {  	[smem:$0x3FAD] =	sst s4  }
0xd: {  	[smem:$0x3FAE] =	sst s5  }
0xe: {  	[smem:$0x3FAF] =	sst s6  }
0xf: {  	[smem:$0x3FB0] =	sst s7  }
0x10: {  	[smem:$0x3FB1] =	sst s8  }
0x11: {  	[smem:$0x3FB2] =	sst s9;
	s0 =	simm.s32 @!p0 $0x0  }
0x12: {  	s1 =	sld [smem:$0x3F98];
	s0 =	simm.s32 @p0 $0x1  }
0x13: {  	[smem:$0x3FB3] =	sst s0;
	s0 =	simm.s32 @!p1 $0x0  }
0x14: {  	s2 =	sld [smem:$0x3F97];
	s0 =	simm.s32 @p1 $0x1  }
0x15: {  	[smem:$0x3FB4] =	sst s0;
	s0 =	simm.s32 @!p2 $0x0  }
0x16: {  	s3 =	sld [smem:$0x3FDB];
	s0 =	simm.s32 @p2 $0x1  }
0x17: {  	s4 =	simm.s32 $0x1BF5;
	[smem:$0x3FB6] =	sst s0  }
0x18: {  	s0 =	sld [smem:$0x3F99];
	_ =	swait.ge [sflag:s4], $0x0  }
0x19: {  	s7 =	sld [smem:$0x3F9A]  }
0x1a: {  	s8 =	sadd.s32 $0xFFFFE003, lr  }
0x1b: {  	s9 =	sadd.s32 $0xFFFFFEF7, lr;
	s5 =	simm.s32 $0xFFFFFFFF;
	p2 =	slt.u32 s8, $0xFFFFF086  }
0x1c: {  	p1 =	slt.u32 s9, $0xF7A;
	s5 =	simm.s32 @!p2 $0x0  }
0x1d: {  	s5 =	simm.s32 @p1 $0x1;
	p0 =	seq.s32 s7, s2  }
0x1e: {  	s7 =	smul.u32 @!p0 $0xF7A, s2;
	p2 =	seq.s32 @!p0 s5, $0x0  }
0x1f: {  	s9 =	smul.u32 $0xF7A, s1;
	s8 =	simm.s32 @!p0 $0x1BF5;
	p2 =	por !p2, p0  }
0x20: {  	[sflag:s8] =	ssyncset.s32 @!p0 $0xFFFFF086;
	s6 =	sadd.s32 @!p0 s3, s7;
	s7 =	simm.s32 @!p0 $0x108  }
0x21: {  	s3 =	sadd.s32 s3, s9;
	s6 =	sadd.s32 @!p0 $0x88, s6;
	s7 =	simm.s32 @p2 $0x1082  }
0x22: {  	[simem:s7], [sflag:s8] =	dma.local @!p0 [hbm:s6], $0xF7A  }
0x23: {  	s9 =	sor.u32 $0xD0000000, s2;
	s6 =	simm.s32 $0x108;
	_ =	swait.ge @!p0 [sflag:s8], $0x0  }
0x24: {  	s3 =	sadd.s32 $0x88, s3;
	s6 =	simm.s32 @!p1 $0x1082;
	[sflag:s4] =	ssyncset.s32 $0xFFFFF086  }
0x25: {  	[simem:s6], [sflag:s4] =	dma.local [hbm:s3], $0xF7A  }
0x26: {  	[smem:$0x3F9A] =	sst s1;
	(tag) =	ssettag s2;
	_ =	strace s9  }
0x27: {  	s1 =	sld [smem:$0x3FAA]  }
0x28: {  	s2 =	sld [smem:$0x3FAB]  }
0x29: {  	s4 =	sld [smem:$0x3FAD]  }
0x2a: {  	p0 =	seq.s32 s5, $0x0;
	s5 =	sld [smem:$0x3FAE]  }
0x2b: {  	s6 =	sld [smem:$0x3FAF]  }
0x2c: {  	s7 =	sld [smem:$0x3FB0]  }
0x2d: {  	s3 =	simm.s32 $0x108;
	s8 =	sld [smem:$0x3FB1]  }
0x2e: {  	s3 =	simm.s32 @!p0 $0x1082;
	s9 =	sld [smem:$0x3FB2]  }
0x2f: {  	lr =	sadd.s32 s0, s3;
	s0 =	sld [smem:$0x3FA9]  }
0x30: {  	s3 =	sld [smem:$0x3FAC]  }
0x31: {  	[smem:$0x3FB5] =	sst s10  }
0x32: {  	s10 =	sld [smem:$0x3FB3];
	_ =	sdelay $0x3  }
0x33: {  	p0 =	seq.s32 s10, $0x1;
	s10 =	sld [smem:$0x3FB5];
	_ =	sdelay $0x3  }
0x34: {  	[smem:$0x3FB5] =	sst s10  }
0x35: {  	s10 =	sld [smem:$0x3FB4];
	_ =	sdelay $0x3  }
0x36: {  	p1 =	seq.s32 s10, $0x1;
	s10 =	sld [smem:$0x3FB5];
	_ =	sdelay $0x3  }
0x37: {  	[smem:$0x3FB5] =	sst s10  }
0x38: {  	s10 =	sld [smem:$0x3FB6]  }
0x39: {  	_ = 	snop;
	(pc) =	sbr.ind lr, $3  }
0x3a: {  	_ = 	snop  }
0x3b: {  	_ = 	snop  }
0x3c: {  	p2 =	seq.s32 s10, $0x1;
	s10 =	sld [smem:$0x3FB5]  }
0x3d: {  	_ =	shalt  }
0x3e: {  	_ =	shalt  }
0x3f: {  	_ =	shalt  }
0x40: {  	_ =	shalt  }
0x41: {  	_ =	shalt  }
0x42: {  	_ =	shalt  }
0x43: {  	_ =	shalt  }
0x44: {  	_ =	shalt  }
0x45: {  	_ =	shalt  }
0x46: {  	_ =	shalt  }
0x47: {  	_ =	shalt  }
0x48: {  	_ =	shalt  }
0x49: {  	_ =	shalt  }
0x4a: {  	_ =	shalt  }
0x4b: {  	_ =	shalt  }
0x4c: {  	_ =	shalt  }
0x4d: {  	_ =	shalt  }
0x4e: {  	_ =	shalt  }
0x4f: {  	_ =	shalt  }
0x50: {  	_ =	shalt  }
0x51: {  	_ =	shalt  }
0x52: {  	_ =	shalt  }
0x53: {  	_ =	shalt  }
0x54: {  	_ =	shalt  }
0x55: {  	_ =	shalt  }
0x56: {  	_ =	shalt  }
0x57: {  	_ =	shalt  }
0x58: {  	_ =	shalt  }
0x59: {  	_ =	shalt  }
0x5a: {  	_ =	shalt  }
0x5b: {  	_ =	shalt  }
0x5c: {  	_ =	shalt  }
0x5d: {  	_ =	shalt  }
0x5e: {  	_ =	shalt  }
0x5f: {  	_ =	shalt  }
0x60: {  	_ =	shalt  }
0x61: {  	_ =	shalt  }
0x62: {  	_ =	shalt  }
0x63: {  	_ =	shalt  }
0x64: {  	_ =	shalt  }
0x65: {  	_ =	shalt  }
0x66: {  	_ =	shalt  }
0x67: {  	_ =	shalt  }
0x68: {  	_ =	shalt  }
0x69: {  	_ =	shalt  }
0x6a: {  	_ =	shalt  }
0x6b: {  	_ =	shalt  }
0x6c: {  	_ =	shalt  }
0x6d: {  	_ =	shalt  }
0x6e: {  	_ =	shalt  }
0x6f: {  	_ =	shalt  }
0x70: {  	_ =	shalt  }
0x71: {  	_ =	shalt  }
0x72: {  	_ =	shalt  }
0x73: {  	_ =	shalt  }
0x74: {  	_ =	shalt  }
0x75: {  	_ =	shalt  }
0x76: {  	_ =	shalt  }
0x77: {  	_ =	shalt  }
0x78: {  	_ =	shalt  }
0x79: {  	_ =	shalt  }
0x7a: {  	_ =	shalt  }
0x7b: {  	_ =	shalt  }
0x7c: {  	_ =	shalt  }
0x7d: {  	_ =	shalt  }
0x7e: {  	_ =	shalt  }
0x7f: {  	_ =	shalt  }
0x80: {  	_ =	shalt  }
0x81: {  	_ =	shalt  }
0x82: {  	_ =	shalt  }
0x83: {  	_ =	shalt  }
0x84: {  	_ =	shalt  }
0x85: {  	_ =	shalt  }
0x86: {  	_ =	shalt  }
0x87: {  	_ =	shalt  }
.Lfunc_end0:
.L_simem_size_0:
called_computation_lowered:
.L_overlay_start_0:
0x88: {  	s2 =	sld [smem:$0x3FD9]  }
0x89: {  	s3 =	sld [smem:$0x3FFE];
	_ =	sdelay $0x1  }
0x8a: {  	s1 =	srdreg.scid  }
0x8b: {  	s0 =	sand.u32 $0x1, s1  }
0x8c: {  	s14 =	sshll.u32 s0, $0xA;
	s2 =	sadd.s32 s3, s2  }
0x8d: {  	s2 =	sadd.s32 s2, s14  }
0x8e: {  	[smem:$0x3FC1] =	sst s2  }
0x8f: {  	_ = 	snop  }
0x90: {  	s2 =	sld [smem:$0x3FD0];
	_ =	sdelay $0x2  }
0x91: {  	s15 =	simm.s32 $0xA;
	s4 =	simm.s32 $0x10  }
0x92: {  	[smem:s4], [sflag:s15] =	dma.local [hbm:s2], $0x1  }
0x93: {  	_ =	swait.eq [sflag:s15], $0x1  }
0x94: {  	[sflag:s15] =	ssyncset.done $0x0  }
0x95: {  	[sflag:s15] =	ssyncadd.s32 $0xFFFFFFFF  }
0x96: {  	s16 =	sld [smem:$0x10];
	(tm) =	ssettm $0x1  }
0x97: {  	s17 =	sld [smem:$0x3FFB];
	_ =	sdelay $0x3  }
0x98: {  	_ =	strace s17  }
0x99: {  	s3 =	sld [smem:$0x3FFC];
	_ =	sdelay $0x3  }
0x9a: {  	_ =	strace s3  }
0x9b: {  	s3 =	sld [smem:$0x3FFD];
	_ =	sdelay $0x3  }
0x9c: {  	_ =	strace s3  }
0x9d: {  	_ =	strace $0x8FFFFFFF  }
0x9e: {  	s18 =	sld [smem:$0x3FDB];
	_ =	sdelay $0x1  }
0x9f: {  	s19 =	simm.s32 $_scs_section_size  }
0xa0: {  	s5 =	simm.s32 $_size__tile_overlayer_lowered;
	s6 =	simm.s32 $_tile_overlayer_lowered  }
0xa1: {  	s22 =	simm.s32 $0x1BFF;
	s21 =	sshll.u32 s6, $0x1;
	s3 =	sadd.s32 s19, s18  }
0xa2: {  	s7 =	simm.s32 $0x0;
	s20 =	sshll.u32 s5, $0x1;
	s5 =	sadd.s32 s21, s3  }
0xa3: {  	[timem:s7], [sflag:s22] =	dma.local [hbm:s5], s20  }
0xa4: {  	_ =	swait.ge [sflag:s22], s20  }
0xa5: {  	s4 =	ssub.s32 $0x0, s20;
	[sflag:s22] =	ssyncset.done $0x0  }
0xa6: {  	[sflag:s22] =	ssyncadd.s32 s4;
	_ =	sdelay $0x1  }
0xa7: {  	s23 =	simm.s32 $0x1B8B  }
0xa8: {  	_ =	swait.ge [sflag:s23], $0x1  }
0xa9: {  	[sflag:s23] =	ssyncset.done $0x0  }
0xaa: {  	s25 =	simm.s32 $0x1B8E;
	s24 =	sld [smem:$0x3FFE];
	[sflag:s23] =	ssyncadd.s32 $0xFFFFFFFF  }
0xab: {  	s26 =	simm.s32 $execute0_lowered;
	[smem:$0x3FD2] =	sst s25  }
0xac: {  	s5 =	sshll.u32 s26, $0x1;
	_ =	strace $0x80000046;
	[dreg:$0x1] =	wrdreg $0xFFFFFFFF  }
0xad: {  	s28 =	simm.s32 $_size_execute0_lowered;
	s3 =	sadd.s32 s3, s5;
	[dreg:$0x0] =	wrdreg $0x0  }
0xae: {  	s5 =	sshll.u32 s28, $0x1;
	[dreg:$0x2] =	wrdreg s3  }
0xaf: {  	[dreg:$0x3] =	wrdreg s5  }
0xb0: {  	[dreg:$0x4] =	wrdreg $0xC0  }
0xb1: {  	_ =	task [dreg:s7], $0x5FFFF  }
0xb2: {  	[dreg:$0x1] =	wrdreg $0xFFFFFFFF  }
0xb3: {  	[dreg:$0x0] =	wrdreg $0x60  }
0xb4: {  	[dreg:$0x2] =	wrdreg s16  }
0xb5: {  	[dreg:$0x3] =	wrdreg s24  }
0xb6: {  	[dreg:$0x4] =	wrdreg $0x9  }
0xb7: {  	_ =	task.clear_ibuf [dreg:s7], $0x5FFFF;
	_ =	strace $0x90000046  }
0xb8: {  	s29 =	simm.s32 $0x9;
	_ =	strace $0x80000048  }
0xb9: {  	_ =	swait.ge [sflag:s29], $0x1  }
0xba: {  	[sflag:s29] =	ssyncadd.s32 $0xFFFFFFFF  }
0xbb: {  	_ =	strace $0x90000048  }
0xbc: {  	_ =	sfence  }
0xbd: {  	s30 =	sld [smem:$0x0];
	_ =	sdelay $0x2  }
0xbe: {  	s31 =	sshll.u32 s1, $0xD;
	s1 =	sshrl.u32 s1, $0x2  }
0xbf: {  	s3 =	sand.u32 $0x4000, s31;
	s1 =	sadd.s32 s1, s30  }
0xc0: {  	s0 =	sor.u32 s3, s0;
	s1 =	sshll.u32 s1, $0x11  }
0xc1: {  	s0 =	sor.u32 s1, s0  }
0xc2: {  	s0 =	sadd.s32 $0x8F2B, s0  }
0xc3: {  	[sflag:s0] =	ssyncadd.remote.s32 $0x1  }
0xc4: {  	_ =	sfence.sel $0xFFFF  }
0xc5: {  	[dreg:$0x0] =	wrdreg $0xFFFFFFFF;
	(pc) =	sbr.abs _section_cstart, $3  }
0xc6: {  	[dreg:$0x1] =	wrdreg $0xFFFFFFFF  }
0xc7: {  	_ =	task.clear_ibuf [dreg:s7], $0x2FFFF;
	_ =	strace $0x9FFFFFFF  }
0xc8: {  	(tm) =	ssettm $0x7FFFFFFF  }
0xc9: {  	_ =	shalt  }
tec
execute0_lowered:
.L_overlay_start_1:
0x0: {  	(tag) =	ssettag $0x1  }
0x1: {  	s1 =	rddreg [dreg:$0x0]  }
0x2: {  	s0 =	rddreg [dreg:$0x1];
	s4 =	srdreg.scid  }
0x3: {  	s3 =	simm.s32 $0x0;
	s2 =	stileid.u32;
	s28 =	simm.s32 $0x6080  }
0x4: {  	s29 =	simm.s32 $0x6880;
	s30 =	simm.s32 $0x7080;
	s31 =	simm.s32 $0x7880  }
0x5: {  	s4 =	sand.u32 $0x1, s4;
	[smem:$0x7FF] =	sst s3;
	s11 =	sadd.s32 $0x100E00, s0  }
0x6: {  	s5 =	sshll.u32 s2, $0xB;
	s0 =	sadd.s32 $0x101E00, s0;
	s6 =	sshll.u32 s4, $0xA  }
0x7: {  	_ =	strace $0x80000047;
	s4 =	ssub.s32 $0x2, s4;
	s10 =	sor.u32 s6, s5  }
0x8: {  	s14 =	sshrl.u32 s4, $0x1;
	s5 =	sshrl.u32 s10, $0x3;
	s6 =	sshll.u32 s10, $0x5  }
0x9: {  	s7 =	sor.u32 $0x80, s10;
	s13 =	sor.u32 $0x100, s10;
	s20 =	sor.u32 $0x200, s10  }
0xa: {  	s23 =	sor.u32 $0x280, s10;
	s5 =	sadd.s32 s11, s5;
	s26 =	sadd.s32 s0, s6  }
0xb: {  	s2 =	sshrl.u32 s7, $0x3;
	s9 =	sshll.u32 s7, $0x5;
	s15 =	sshrl.u32 s13, $0x3  }
0xc: {  	s6 =	sshll.u32 s13, $0x5;
	s13 =	ssub.s32 s4, s14;
	s21 =	sshrl.u32 s20, $0x3  }
0xd: {  	s22 =	sshll.u32 s20, $0x5;
	s24 =	sshrl.u32 s23, $0x3;
	[dreg:$0x3] =	wrdreg s5  }
0xe: {  	s14 =	sor.u32 $0x380, s10;
	s20 =	simm.s32 $0x2880;
	[dreg:$0x4] =	wrdreg s26  }
0xf: {  	s8 =	sadd.s32 s11, s2;
	s12 =	sadd.s32 s0, s9;
	s5 =	sadd.s32 s11, s15  }
0x10: {  	s16 =	sadd.s32 s0, s6;
	s6 =	sadd.s32 s0, s22;
	s9 =	sshll.u32 s23, $0x5  }
0x11: {  	s7 =	sadd.s32 s11, s24;
	s26 =	sshrl.u32 s14, $0x3;
	s14 =	sshll.u32 s14, $0x5  }
0x12: {  	s13 =	smax.u32 s13, $0x1;
	s15 =	simm.s32 $0x80;
	[dreg:$0x5] =	wrdreg s8  }
0x13: {  	s22 =	simm.s32 $0x3880;
	s23 =	simm.s32 $0x4080;
	[dreg:$0x6] =	wrdreg s12  }
0x14: {  	s24 =	simm.s32 $0x4880;
	s8 =	sor.u32 $0x180, s10;
	[dreg:$0x7] =	wrdreg s5  }
0x15: {  	[dreg:$0x8] =	wrdreg s16;
	s5 =	sadd.s32 s11, s21;
	s12 =	sor.u32 $0x300, s10  }
0x16: {  	s16 =	simm.s32 $0x880;
	s21 =	simm.s32 $0x3080;
	s17 =	sshrl.u32 s8, $0x3  }
0x17: {  	s19 =	sshll.u32 s8, $0x5;
	s8 =	sadd.s32 s0, s9;
	s25 =	sshrl.u32 s12, $0x3  }
0x18: {  	s12 =	sshll.u32 s12, $0x5;
	s18 =	sadd.s32 s11, s17;
	s4 =	sadd.s32 s0, s19  }
0x19: {  	s9 =	sadd.s32 s11, s25;
	s10 =	sadd.s32 s0, s12;
	s11 =	sadd.s32 s11, s26  }
0x1a: {  	v2 =	vlaneseq.u32;
	s12 =	sadd.s32 s0, s14;
	s14 =	simm.s32 $0x2;
	s17 =	simm.s32 $0x1080  }
0x1b: {  	vm0 =	vmmov $0xffff;
	v1 =	vshrl.u32 v2, $0x3;
	s19 =	simm.s32 $0x2080;
	s25 =	simm.s32 $0x5080;
	s26 =	simm.s32 $0x5880  }
0x1c: {  	v0 =	vand.u32 $0x7, v2;
	v2 =	vor.u32 $0x8, v2;
	v1 =	vmul.u32 $0x8, v1;
	s0 =	simm.s32 $0x1;
	[dreg:$0x9] =	wrdreg s18;
	s18 =	simm.s32 $0x1880  }
.LBB2_1:
0x1d: {  	s2 =	rddreg [dreg:$0x3]  }
0x1e: {  	[tilespmem:s3], [sflag:$0x2] =	stream.linear.gather [hbm4b:s2+s3], $0x80, $0x38;
	[tilespmem:$0x8080] =	vst v63  }
0x1f: {  	_ =	swait.ge [sflag:s14], $0x80  }
0x20: {  	[sflag:s14] =	ssyncset.done $0x0  }
0x21: {  	[sflag:s14] =	ssyncadd.s32 $0xFFFFFF80  }
0x22: {  	v3 =	vld [tilespmem:$0x0];
	_ =	sdelay $0x4  }
0x23: {  	v4 =	vshll.u32 v3, $0x1  }
0x24: {  	v3 =	vand.u32 $0x7, v3;
	v4 =	vand.u32 $0xFFFFFFF0, v4  }
0x25: {  	v3 =	vor.u32 v3, v4  }
0x26: {  	v4 =	vperm.xlane v3, v0;
	_ =	sdelay $0x1  }
0x27: {  	v3 =	vperm.xlane v3, v2;
	v4 =	vadd.s32 v1, v4;
	_ =	sdelay $0x1  }
0x28: {  	v3 =	vadd.s32 v1, v3;
	_ =	sdelay $0x2  }
0x29: {  	[tilespmem:s15], [sflag:$0x1] =	stream.indirect_vreg.gather [hbm4b:s1+s3], $0x80, v4, vm0, $0xb8;
	[tilespmem:$0x8080] =	vst v63  }
0x2a: {  	_ = 	snop  }
0x2b: {  	[tilespmem:s16], [sflag:$0x1] =	stream.indirect_vreg.gather [hbm4b:s1+s3], $0x80, v3, vm0, $0xb8;
	[tilespmem:$0x8080] =	vst v63  }
0x2c: {  	v3 =	vld [tilespmem:$0x10];
	_ =	sdelay $0x4  }
0x2d: {  	v57 =	vshll.u32 v3, $0x1  }
0x2e: {  	v3 =	vand.u32 $0x7, v3;
	v4 =	vand.u32 $0xFFFFFFF0, v57  }
0x2f: {  	v3 =	vor.u32 v3, v4  }
0x30: {  	v4 =	vperm.xlane v3, v0;
	_ =	sdelay $0x1  }
0x31: {  	v3 =	vperm.xlane v3, v2;
	v4 =	vadd.s32 v1, v4;
	_ =	sdelay $0x1  }
0x32: {  	v3 =	vadd.s32 v1, v3;
	_ =	sdelay $0x2  }
0x33: {  	[tilespmem:s17], [sflag:$0x1] =	stream.indirect_vreg.gather [hbm4b:s1+s3], $0x80, v4, vm0, $0xb8;
	[tilespmem:$0x8080] =	vst v63  }
0x34: {  	_ = 	snop  }
0x35: {  	[tilespmem:s18], [sflag:$0x1] =	stream.indirect_vreg.gather [hbm4b:s1+s3], $0x80, v3, vm0, $0xb8;
	[tilespmem:$0x8080] =	vst v63  }
0x36: {  	v3 =	vld [tilespmem:$0x20];
	_ =	sdelay $0x4  }
0x37: {  	v58 =	vshll.u32 v3, $0x1  }
0x38: {  	v3 =	vand.u32 $0x7, v3;
	v4 =	vand.u32 $0xFFFFFFF0, v58  }
0x39: {  	v3 =	vor.u32 v3, v4  }
0x3a: {  	v4 =	vperm.xlane v3, v0;
	_ =	sdelay $0x1  }
0x3b: {  	v3 =	vperm.xlane v3, v2;
	v4 =	vadd.s32 v1, v4;
	_ =	sdelay $0x1  }
0x3c: {  	v3 =	vadd.s32 v1, v3;
	_ =	sdelay $0x2  }
0x3d: {  	[tilespmem:s19], [sflag:$0x1] =	stream.indirect_vreg.gather [hbm4b:s1+s3], $0x80, v4, vm0, $0xb8;
	[tilespmem:$0x8080] =	vst v63  }
0x3e: {  	_ = 	snop  }
0x3f: {  	[tilespmem:s20], [sflag:$0x1] =	stream.indirect_vreg.gather [hbm4b:s1+s3], $0x80, v3, vm0, $0xb8;
	[tilespmem:$0x8080] =	vst v63  }
0x40: {  	v3 =	vld [tilespmem:$0x30];
	_ =	sdelay $0x4  }
0x41: {  	v59 =	vshll.u32 v3, $0x1  }
0x42: {  	v3 =	vand.u32 $0x7, v3;
	v4 =	vand.u32 $0xFFFFFFF0, v59  }
0x43: {  	v3 =	vor.u32 v3, v4  }
0x44: {  	v4 =	vperm.xlane v3, v0;
	_ =	sdelay $0x1  }
0x45: {  	v3 =	vperm.xlane v3, v2;
	v4 =	vadd.s32 v1, v4;
	_ =	sdelay $0x1  }
0x46: {  	v3 =	vadd.s32 v1, v3;
	_ =	sdelay $0x2  }
0x47: {  	[tilespmem:s21], [sflag:$0x1] =	stream.indirect_vreg.gather [hbm4b:s1+s3], $0x80, v4, vm0, $0xb8;
	[tilespmem:$0x8080] =	vst v63  }
0x48: {  	_ = 	snop  }
0x49: {  	[tilespmem:s22], [sflag:$0x1] =	stream.indirect_vreg.gather [hbm4b:s1+s3], $0x80, v3, vm0, $0xb8;
	[tilespmem:$0x8080] =	vst v63  }
0x4a: {  	v3 =	vld [tilespmem:$0x40];
	_ =	sdelay $0x4  }
0x4b: {  	v60 =	vshll.u32 v3, $0x1  }
0x4c: {  	v3 =	vand.u32 $0x7, v3;
	v4 =	vand.u32 $0xFFFFFFF0, v60  }
0x4d: {  	v3 =	vor.u32 v3, v4  }
0x4e: {  	v4 =	vperm.xlane v3, v0;
	_ =	sdelay $0x1  }
0x4f: {  	v3 =	vperm.xlane v3, v2;
	v4 =	vadd.s32 v1, v4;
	_ =	sdelay $0x1  }
0x50: {  	v3 =	vadd.s32 v1, v3;
	_ =	sdelay $0x2  }
0x51: {  	[tilespmem:s23], [sflag:$0x1] =	stream.indirect_vreg.gather [hbm4b:s1+s3], $0x80, v4, vm0, $0xb8;
	[tilespmem:$0x8080] =	vst v63  }
0x52: {  	_ = 	snop  }
0x53: {  	[tilespmem:s24], [sflag:$0x1] =	stream.indirect_vreg.gather [hbm4b:s1+s3], $0x80, v3, vm0, $0xb8;
	[tilespmem:$0x8080] =	vst v63  }
0x54: {  	v3 =	vld [tilespmem:$0x50];
	_ =	sdelay $0x4  }
0x55: {  	v61 =	vshll.u32 v3, $0x1  }
0x56: {  	v3 =	vand.u32 $0x7, v3;
	v4 =	vand.u32 $0xFFFFFFF0, v61  }
0x57: {  	v3 =	vor.u32 v3, v4  }
0x58: {  	v4 =	vperm.xlane v3, v0;
	_ =	sdelay $0x1  }
0x59: {  	v3 =	vperm.xlane v3, v2;
	v4 =	vadd.s32 v1, v4;
	_ =	sdelay $0x1  }
0x5a: {  	v3 =	vadd.s32 v1, v3;
	_ =	sdelay $0x2  }
0x5b: {  	[tilespmem:s25], [sflag:$0x1] =	stream.indirect_vreg.gather [hbm4b:s1+s3], $0x80, v4, vm0, $0xb8;
	[tilespmem:$0x8080] =	vst v63  }
0x5c: {  	_ = 	snop  }
0x5d: {  	[tilespmem:s26], [sflag:$0x1] =	stream.indirect_vreg.gather [hbm4b:s1+s3], $0x80, v3, vm0, $0xb8;
	[tilespmem:$0x8080] =	vst v63  }
0x5e: {  	v3 =	vld [tilespmem:$0x60];
	_ =	sdelay $0x4  }
0x5f: {  	v62 =	vshll.u32 v3, $0x1  }
0x60: {  	v3 =	vand.u32 $0x7, v3;
	v4 =	vand.u32 $0xFFFFFFF0, v62  }
0x61: {  	v3 =	vor.u32 v3, v4  }
0x62: {  	v4 =	vperm.xlane v3, v0;
	_ =	sdelay $0x1  }
0x63: {  	v3 =	vperm.xlane v3, v2;
	v4 =	vadd.s32 v1, v4;
	_ =	sdelay $0x1  }
0x64: {  	v3 =	vadd.s32 v1, v3;
	_ =	sdelay $0x2  }
0x65: {  	[tilespmem:s28], [sflag:$0x1] =	stream.indirect_vreg.gather [hbm4b:s1+s3], $0x80, v4, vm0, $0xb8;
	[tilespmem:$0x8080] =	vst v63  }
0x66: {  	_ = 	snop  }
0x67: {  	[tilespmem:s29], [sflag:$0x1] =	stream.indirect_vreg.gather [hbm4b:s1+s3], $0x80, v3, vm0, $0xb8;
	[tilespmem:$0x8080] =	vst v63  }
0x68: {  	v3 =	vld [tilespmem:$0x70];
	_ =	sdelay $0x4  }
0x69: {  	v63 =	vshll.u32 v3, $0x1  }
0x6a: {  	v3 =	vand.u32 $0x7, v3;
	v4 =	vand.u32 $0xFFFFFFF0, v63  }
0x6b: {  	v3 =	vor.u32 v3, v4  }
0x6c: {  	v4 =	vperm.xlane v3, v0;
	_ =	sdelay $0x1  }
0x6d: {  	v3 =	vperm.xlane v3, v2;
	v4 =	vadd.s32 v1, v4;
	_ =	sdelay $0x1  }
0x6e: {  	v3 =	vadd.s32 v1, v3;
	_ =	sdelay $0x2  }
0x6f: {  	[tilespmem:s30], [sflag:$0x1] =	stream.indirect_vreg.gather [hbm4b:s1+s3], $0x80, v4, vm0, $0xb8;
	[tilespmem:$0x8080] =	vst v63  }
0x70: {  	_ = 	snop  }
0x71: {  	[tilespmem:s31], [sflag:$0x1] =	stream.indirect_vreg.gather [hbm4b:s1+s3], $0x80, v3, vm0, $0xb8;
	[tilespmem:$0x8080] =	vst v63  }
0x72: {  	_ =	swait.ge [sflag:s0], $0x8000  }
0x73: {  	[sflag:s0] =	ssyncset.done $0x0  }
0x74: {  	s2 =	rddreg [dreg:$0x4];
	[sflag:s0] =	ssyncadd.s32 $0xFFFF8000  }
0x75: {  	[hbm4b:s2+s3] =	stream.linear.scatter [tilespmem:s15], [sflag:$0x2], $0x8000, $0x38;
	[tilespmem:$0x8080] =	vst v63  }
0x76: {  	_ =	swait.ge [sflag:s14], $0x8000  }
0x77: {  	[sflag:s14] =	ssyncset.done $0x0  }
0x78: {  	s2 =	rddreg [dreg:$0x5];
	[sflag:s14] =	ssyncadd.s32 $0xFFFF8000  }
0x79: {  	[tilespmem:s3], [sflag:$0x2] =	stream.linear.gather [hbm4b:s2+s3], $0x80, $0x38;
	[tilespmem:$0x8080] =	vst v63  }
0x7a: {  	_ =	swait.ge [sflag:s14], $0x80  }
0x7b: {  	[sflag:s14] =	ssyncset.done $0x0  }
0x7c: {  	[sflag:s14] =	ssyncadd.s32 $0xFFFFFF80  }
0x7d: {  	v3 =	vld [tilespmem:$0x0];
	_ =	sdelay $0x4  }
0x7e: {  	v8 =	vshll.u32 v3, $0x1  }
0x7f: {  	v3 =	vand.u32 $0x7, v3;
	v4 =	vand.u32 $0xFFFFFFF0, v8  }
0x80: {  	v3 =	vor.u32 v3, v4  }
0x81: {  	v4 =	vperm.xlane v3, v0;
	_ =	sdelay $0x1  }
0x82: {  	v3 =	vperm.xlane v3, v2;
	v4 =	vadd.s32 v1, v4;
	_ =	sdelay $0x1  }
0x83: {  	v3 =	vadd.s32 v1, v3;
	_ =	sdelay $0x2  }
0x84: {  	[tilespmem:s15], [sflag:$0x1] =	stream.indirect_vreg.gather [hbm4b:s1+s3], $0x80, v4, vm0, $0xb8;
	[tilespmem:$0x8080] =	vst v63  }
0x85: {  	_ = 	snop  }
0x86: {  	[tilespmem:s16], [sflag:$0x1] =	stream.indirect_vreg.gather [hbm4b:s1+s3], $0x80, v3, vm0, $0xb8;
	[tilespmem:$0x8080] =	vst v63  }
0x87: {  	v3 =	vld [tilespmem:$0x10];
	_ =	sdelay $0x4  }
0x88: {  	v9 =	vshll.u32 v3, $0x1  }
0x89: {  	v3 =	vand.u32 $0x7, v3;
	v4 =	vand.u32 $0xFFFFFFF0, v9  }
0x8a: {  	v3 =	vor.u32 v3, v4  }
0x8b: {  	v4 =	vperm.xlane v3, v0;
	_ =	sdelay $0x1  }
0x8c: {  	v3 =	vperm.xlane v3, v2;
	v4 =	vadd.s32 v1, v4;
	_ =	sdelay $0x1  }
0x8d: {  	v3 =	vadd.s32 v1, v3;
	_ =	sdelay $0x2  }
0x8e: {  	[tilespmem:s17], [sflag:$0x1] =	stream.indirect_vreg.gather [hbm4b:s1+s3], $0x80, v4, vm0, $0xb8;
	[tilespmem:$0x8080] =	vst v63  }
0x8f: {  	_ = 	snop  }
0x90: {  	[tilespmem:s18], [sflag:$0x1] =	stream.indirect_vreg.gather [hbm4b:s1+s3], $0x80, v3, vm0, $0xb8;
	[tilespmem:$0x8080] =	vst v63  }
0x91: {  	v3 =	vld [tilespmem:$0x20];
	_ =	sdelay $0x4  }
0x92: {  	v10 =	vshll.u32 v3, $0x1  }
0x93: {  	v3 =	vand.u32 $0x7, v3;
	v4 =	vand.u32 $0xFFFFFFF0, v10  }
0x94: {  	v3 =	vor.u32 v3, v4  }
0x95: {  	v4 =	vperm.xlane v3, v0;
	_ =	sdelay $0x1  }
0x96: {  	v3 =	vperm.xlane v3, v2;
	v4 =	vadd.s32 v1, v4;
	_ =	sdelay $0x1  }
0x97: {  	v3 =	vadd.s32 v1, v3;
	_ =	sdelay $0x2  }
0x98: {  	[tilespmem:s19], [sflag:$0x1] =	stream.indirect_vreg.gather [hbm4b:s1+s3], $0x80, v4, vm0, $0xb8;
	[tilespmem:$0x8080] =	vst v63  }
0x99: {  	_ = 	snop  }
0x9a: {  	[tilespmem:s20], [sflag:$0x1] =	stream.indirect_vreg.gather [hbm4b:s1+s3], $0x80, v3, vm0, $0xb8;
	[tilespmem:$0x8080] =	vst v63  }
0x9b: {  	v3 =	vld [tilespmem:$0x30];
	_ =	sdelay $0x4  }
0x9c: {  	v11 =	vshll.u32 v3, $0x1  }
0x9d: {  	v3 =	vand.u32 $0x7, v3;
	v4 =	vand.u32 $0xFFFFFFF0, v11  }
0x9e: {  	v3 =	vor.u32 v3, v4  }
0x9f: {  	v4 =	vperm.xlane v3, v0;
	_ =	sdelay $0x1  }
0xa0: {  	v3 =	vperm.xlane v3, v2;
	v4 =	vadd.s32 v1, v4;
	_ =	sdelay $0x1  }
0xa1: {  	v3 =	vadd.s32 v1, v3;
	_ =	sdelay $0x2  }
0xa2: {  	[tilespmem:s21], [sflag:$0x1] =	stream.indirect_vreg.gather [hbm4b:s1+s3], $0x80, v4, vm0, $0xb8;
	[tilespmem:$0x8080] =	vst v63  }
0xa3: {  	_ = 	snop  }
0xa4: {  	[tilespmem:s22], [sflag:$0x1] =	stream.indirect_vreg.gather [hbm4b:s1+s3], $0x80, v3, vm0, $0xb8;
	[tilespmem:$0x8080] =	vst v63  }
0xa5: {  	v3 =	vld [tilespmem:$0x40];
	_ =	sdelay $0x4  }
0xa6: {  	v12 =	vshll.u32 v3, $0x1  }
0xa7: {  	v3 =	vand.u32 $0x7, v3;
	v4 =	vand.u32 $0xFFFFFFF0, v12  }
0xa8: {  	v3 =	vor.u32 v3, v4  }
0xa9: {  	v4 =	vperm.xlane v3, v0;
	_ =	sdelay $0x1  }
0xaa: {  	v3 =	vperm.xlane v3, v2;
	v4 =	vadd.s32 v1, v4;
	_ =	sdelay $0x1  }
0xab: {  	v3 =	vadd.s32 v1, v3;
	_ =	sdelay $0x2  }
0xac: {  	[tilespmem:s23], [sflag:$0x1] =	stream.indirect_vreg.gather [hbm4b:s1+s3], $0x80, v4, vm0, $0xb8;
	[tilespmem:$0x8080] =	vst v63  }
0xad: {  	_ = 	snop  }
0xae: {  	[tilespmem:s24], [sflag:$0x1] =	stream.indirect_vreg.gather [hbm4b:s1+s3], $0x80, v3, vm0, $0xb8;
	[tilespmem:$0x8080] =	vst v63  }
0xaf: {  	v3 =	vld [tilespmem:$0x50];
	_ =	sdelay $0x4  }
0xb0: {  	v13 =	vshll.u32 v3, $0x1  }
0xb1: {  	v3 =	vand.u32 $0x7, v3;
	v4 =	vand.u32 $0xFFFFFFF0, v13  }
0xb2: {  	v3 =	vor.u32 v3, v4  }
0xb3: {  	v4 =	vperm.xlane v3, v0;
	_ =	sdelay $0x1  }
0xb4: {  	v3 =	vperm.xlane v3, v2;
	v4 =	vadd.s32 v1, v4;
	_ =	sdelay $0x1  }
0xb5: {  	v3 =	vadd.s32 v1, v3;
	_ =	sdelay $0x2  }
0xb6: {  	[tilespmem:s25], [sflag:$0x1] =	stream.indirect_vreg.gather [hbm4b:s1+s3], $0x80, v4, vm0, $0xb8;
	[tilespmem:$0x8080] =	vst v63  }
0xb7: {  	_ = 	snop  }
0xb8: {  	[tilespmem:s26], [sflag:$0x1] =	stream.indirect_vreg.gather [hbm4b:s1+s3], $0x80, v3, vm0, $0xb8;
	[tilespmem:$0x8080] =	vst v63  }
0xb9: {  	v3 =	vld [tilespmem:$0x60];
	_ =	sdelay $0x4  }
0xba: {  	v14 =	vshll.u32 v3, $0x1  }
0xbb: {  	v3 =	vand.u32 $0x7, v3;
	v4 =	vand.u32 $0xFFFFFFF0, v14  }
0xbc: {  	v3 =	vor.u32 v3, v4  }
0xbd: {  	v4 =	vperm.xlane v3, v0;
	_ =	sdelay $0x1  }
0xbe: {  	v3 =	vperm.xlane v3, v2;
	v4 =	vadd.s32 v1, v4;
	_ =	sdelay $0x1  }
0xbf: {  	v3 =	vadd.s32 v1, v3;
	_ =	sdelay $0x2  }
0xc0: {  	[tilespmem:s28], [sflag:$0x1] =	stream.indirect_vreg.gather [hbm4b:s1+s3], $0x80, v4, vm0, $0xb8;
	[tilespmem:$0x8080] =	vst v63  }
0xc1: {  	_ = 	snop  }
0xc2: {  	[tilespmem:s29], [sflag:$0x1] =	stream.indirect_vreg.gather [hbm4b:s1+s3], $0x80, v3, vm0, $0xb8;
	[tilespmem:$0x8080] =	vst v63  }
0xc3: {  	v3 =	vld [tilespmem:$0x70];
	_ =	sdelay $0x4  }
0xc4: {  	v15 =	vshll.u32 v3, $0x1  }
0xc5: {  	v3 =	vand.u32 $0x7, v3;
	v4 =	vand.u32 $0xFFFFFFF0, v15  }
0xc6: {  	v3 =	vor.u32 v3, v4  }
0xc7: {  	v4 =	vperm.xlane v3, v0;
	_ =	sdelay $0x1  }
0xc8: {  	v3 =	vperm.xlane v3, v2;
	v4 =	vadd.s32 v1, v4;
	_ =	sdelay $0x1  }
0xc9: {  	v3 =	vadd.s32 v1, v3;
	_ =	sdelay $0x2  }
0xca: {  	[tilespmem:s30], [sflag:$0x1] =	stream.indirect_vreg.gather [hbm4b:s1+s3], $0x80, v4, vm0, $0xb8;
	[tilespmem:$0x8080] =	vst v63  }
0xcb: {  	_ = 	snop  }
0xcc: {  	[tilespmem:s31], [sflag:$0x1] =	stream.indirect_vreg.gather [hbm4b:s1+s3], $0x80, v3, vm0, $0xb8;
	[tilespmem:$0x8080] =	vst v63  }
0xcd: {  	_ =	swait.ge [sflag:s0], $0x8000  }
0xce: {  	[sflag:s0] =	ssyncset.done $0x0  }
0xcf: {  	s2 =	rddreg [dreg:$0x6];
	[sflag:s0] =	ssyncadd.s32 $0xFFFF8000  }
0xd0: {  	[hbm4b:s2+s3] =	stream.linear.scatter [tilespmem:s15], [sflag:$0x2], $0x8000, $0x38;
	[tilespmem:$0x8080] =	vst v63  }
0xd1: {  	_ =	swait.ge [sflag:s14], $0x8000  }
0xd2: {  	[sflag:s14] =	ssyncset.done $0x0  }
0xd3: {  	s2 =	rddreg [dreg:$0x7];
	[sflag:s14] =	ssyncadd.s32 $0xFFFF8000  }
0xd4: {  	[tilespmem:s3], [sflag:$0x2] =	stream.linear.gather [hbm4b:s2+s3], $0x80, $0x38;
	[tilespmem:$0x8080] =	vst v63  }
0xd5: {  	_ =	swait.ge [sflag:s14], $0x80  }
0xd6: {  	[sflag:s14] =	ssyncset.done $0x0  }
0xd7: {  	[sflag:s14] =	ssyncadd.s32 $0xFFFFFF80  }
0xd8: {  	v3 =	vld [tilespmem:$0x0];
	_ =	sdelay $0x4  }
0xd9: {  	v16 =	vshll.u32 v3, $0x1  }
0xda: {  	v3 =	vand.u32 $0x7, v3;
	v4 =	vand.u32 $0xFFFFFFF0, v16  }
0xdb: {  	v3 =	vor.u32 v3, v4  }
0xdc: {  	v4 =	vperm.xlane v3, v0;
	_ =	sdelay $0x1  }
0xdd: {  	v3 =	vperm.xlane v3, v2;
	v4 =	vadd.s32 v1, v4;
	_ =	sdelay $0x1  }
0xde: {  	v3 =	vadd.s32 v1, v3;
	_ =	sdelay $0x2  }
0xdf: {  	[tilespmem:s15], [sflag:$0x1] =	stream.indirect_vreg.gather [hbm4b:s1+s3], $0x80, v4, vm0, $0xb8;
	[tilespmem:$0x8080] =	vst v63  }
0xe0: {  	_ = 	snop  }
0xe1: {  	[tilespmem:s16], [sflag:$0x1] =	stream.indirect_vreg.gather [hbm4b:s1+s3], $0x80, v3, vm0, $0xb8;
	[tilespmem:$0x8080] =	vst v63  }
0xe2: {  	v3 =	vld [tilespmem:$0x10];
	_ =	sdelay $0x4  }
0xe3: {  	v17 =	vshll.u32 v3, $0x1  }
0xe4: {  	v3 =	vand.u32 $0x7, v3;
	v4 =	vand.u32 $0xFFFFFFF0, v17  }
0xe5: {  	v3 =	vor.u32 v3, v4  }
0xe6: {  	v4 =	vperm.xlane v3, v0;
	_ =	sdelay $0x1  }
0xe7: {  	v3 =	vperm.xlane v3, v2;
	v4 =	vadd.s32 v1, v4;
	_ =	sdelay $0x1  }
0xe8: {  	v3 =	vadd.s32 v1, v3;
	_ =	sdelay $0x2  }
0xe9: {  	[tilespmem:s17], [sflag:$0x1] =	stream.indirect_vreg.gather [hbm4b:s1+s3], $0x80, v4, vm0, $0xb8;
	[tilespmem:$0x8080] =	vst v63  }
0xea: {  	_ = 	snop  }
0xeb: {  	[tilespmem:s18], [sflag:$0x1] =	stream.indirect_vreg.gather [hbm4b:s1+s3], $0x80, v3, vm0, $0xb8;
	[tilespmem:$0x8080] =	vst v63  }
0xec: {  	v3 =	vld [tilespmem:$0x20];
	_ =	sdelay $0x4  }
0xed: {  	v18 =	vshll.u32 v3, $0x1  }
0xee: {  	v3 =	vand.u32 $0x7, v3;
	v4 =	vand.u32 $0xFFFFFFF0, v18  }
0xef: {  	v3 =	vor.u32 v3, v4  }
0xf0: {  	v4 =	vperm.xlane v3, v0;
	_ =	sdelay $0x1  }
0xf1: {  	v3 =	vperm.xlane v3, v2;
	v4 =	vadd.s32 v1, v4;
	_ =	sdelay $0x1  }
0xf2: {  	v3 =	vadd.s32 v1, v3;
	_ =	sdelay $0x2  }
0xf3: {  	[tilespmem:s19], [sflag:$0x1] =	stream.indirect_vreg.gather [hbm4b:s1+s3], $0x80, v4, vm0, $0xb8;
	[tilespmem:$0x8080] =	vst v63  }
0xf4: {  	_ = 	snop  }
0xf5: {  	[tilespmem:s20], [sflag:$0x1] =	stream.indirect_vreg.gather [hbm4b:s1+s3], $0x80, v3, vm0, $0xb8;
	[tilespmem:$0x8080] =	vst v63  }
0xf6: {  	v3 =	vld [tilespmem:$0x30];
	_ =	sdelay $0x4  }
0xf7: {  	v19 =	vshll.u32 v3, $0x1  }
0xf8: {  	v3 =	vand.u32 $0x7, v3;
	v4 =	vand.u32 $0xFFFFFFF0, v19  }
0xf9: {  	v3 =	vor.u32 v3, v4  }
0xfa: {  	v4 =	vperm.xlane v3, v0;
	_ =	sdelay $0x1  }
0xfb: {  	v3 =	vperm.xlane v3, v2;
	v4 =	vadd.s32 v1, v4;
	_ =	sdelay $0x1  }
0xfc: {  	v3 =	vadd.s32 v1, v3;
	_ =	sdelay $0x2  }
0xfd: {  	[tilespmem:s21], [sflag:$0x1] =	stream.indirect_vreg.gather [hbm4b:s1+s3], $0x80, v4, vm0, $0xb8;
	[tilespmem:$0x8080] =	vst v63  }
0xfe: {  	_ = 	snop  }
0xff: {  	[tilespmem:s22], [sflag:$0x1] =	stream.indirect_vreg.gather [hbm4b:s1+s3], $0x80, v3, vm0, $0xb8;
	[tilespmem:$0x8080] =	vst v63  }
0x100: {  	v3 =	vld [tilespmem:$0x40];
	_ =	sdelay $0x4  }
0x101: {  	v20 =	vshll.u32 v3, $0x1  }
0x102: {  	v3 =	vand.u32 $0x7, v3;
	v4 =	vand.u32 $0xFFFFFFF0, v20  }
0x103: {  	v3 =	vor.u32 v3, v4  }
0x104: {  	v4 =	vperm.xlane v3, v0;
	_ =	sdelay $0x1  }
0x105: {  	v3 =	vperm.xlane v3, v2;
	v4 =	vadd.s32 v1, v4;
	_ =	sdelay $0x1  }
0x106: {  	v3 =	vadd.s32 v1, v3;
	_ =	sdelay $0x2  }
0x107: {  	[tilespmem:s23], [sflag:$0x1] =	stream.indirect_vreg.gather [hbm4b:s1+s3], $0x80, v4, vm0, $0xb8;
	[tilespmem:$0x8080] =	vst v63  }
0x108: {  	_ = 	snop  }
0x109: {  	[tilespmem:s24], [sflag:$0x1] =	stream.indirect_vreg.gather [hbm4b:s1+s3], $0x80, v3, vm0, $0xb8;
	[tilespmem:$0x8080] =	vst v63  }
0x10a: {  	v3 =	vld [tilespmem:$0x50];
	_ =	sdelay $0x4  }
0x10b: {  	v21 =	vshll.u32 v3, $0x1  }
0x10c: {  	v3 =	vand.u32 $0x7, v3;
	v4 =	vand.u32 $0xFFFFFFF0, v21  }
0x10d: {  	v3 =	vor.u32 v3, v4  }
0x10e: {  	v4 =	vperm.xlane v3, v0;
	_ =	sdelay $0x1  }
0x10f: {  	v3 =	vperm.xlane v3, v2;
	v4 =	vadd.s32 v1, v4;
	_ =	sdelay $0x1  }
0x110: {  	v3 =	vadd.s32 v1, v3;
	_ =	sdelay $0x2  }
0x111: {  	[tilespmem:s25], [sflag:$0x1] =	stream.indirect_vreg.gather [hbm4b:s1+s3], $0x80, v4, vm0, $0xb8;
	[tilespmem:$0x8080] =	vst v63  }
0x112: {  	_ = 	snop  }
0x113: {  	[tilespmem:s26], [sflag:$0x1] =	stream.indirect_vreg.gather [hbm4b:s1+s3], $0x80, v3, vm0, $0xb8;
	[tilespmem:$0x8080] =	vst v63  }
0x114: {  	v3 =	vld [tilespmem:$0x60];
	_ =	sdelay $0x4  }
0x115: {  	v22 =	vshll.u32 v3, $0x1  }
0x116: {  	v3 =	vand.u32 $0x7, v3;
	v4 =	vand.u32 $0xFFFFFFF0, v22  }
0x117: {  	v3 =	vor.u32 v3, v4  }
0x118: {  	v4 =	vperm.xlane v3, v0;
	_ =	sdelay $0x1  }
0x119: {  	v3 =	vperm.xlane v3, v2;
	v4 =	vadd.s32 v1, v4;
	_ =	sdelay $0x1  }
0x11a: {  	v3 =	vadd.s32 v1, v3;
	_ =	sdelay $0x2  }
0x11b: {  	[tilespmem:s28], [sflag:$0x1] =	stream.indirect_vreg.gather [hbm4b:s1+s3], $0x80, v4, vm0, $0xb8;
	[tilespmem:$0x8080] =	vst v63  }
0x11c: {  	_ = 	snop  }
0x11d: {  	[tilespmem:s29], [sflag:$0x1] =	stream.indirect_vreg.gather [hbm4b:s1+s3], $0x80, v3, vm0, $0xb8;
	[tilespmem:$0x8080] =	vst v63  }
0x11e: {  	v3 =	vld [tilespmem:$0x70];
	_ =	sdelay $0x4  }
0x11f: {  	v23 =	vshll.u32 v3, $0x1  }
0x120: {  	v3 =	vand.u32 $0x7, v3;
	v4 =	vand.u32 $0xFFFFFFF0, v23  }
0x121: {  	v3 =	vor.u32 v3, v4  }
0x122: {  	v4 =	vperm.xlane v3, v0;
	_ =	sdelay $0x1  }
0x123: {  	v3 =	vperm.xlane v3, v2;
	v4 =	vadd.s32 v1, v4;
	_ =	sdelay $0x1  }
0x124: {  	v3 =	vadd.s32 v1, v3;
	_ =	sdelay $0x2  }
0x125: {  	[tilespmem:s30], [sflag:$0x1] =	stream.indirect_vreg.gather [hbm4b:s1+s3], $0x80, v4, vm0, $0xb8;
	[tilespmem:$0x8080] =	vst v63  }
0x126: {  	_ = 	snop  }
0x127: {  	[tilespmem:s31], [sflag:$0x1] =	stream.indirect_vreg.gather [hbm4b:s1+s3], $0x80, v3, vm0, $0xb8;
	[tilespmem:$0x8080] =	vst v63  }
0x128: {  	_ =	swait.ge [sflag:s0], $0x8000  }
0x129: {  	[sflag:s0] =	ssyncset.done $0x0  }
0x12a: {  	s2 =	rddreg [dreg:$0x8];
	[sflag:s0] =	ssyncadd.s32 $0xFFFF8000  }
0x12b: {  	[hbm4b:s2+s3] =	stream.linear.scatter [tilespmem:s15], [sflag:$0x2], $0x8000, $0x38;
	[tilespmem:$0x8080] =	vst v63  }
0x12c: {  	_ =	swait.ge [sflag:s14], $0x8000  }
0x12d: {  	[sflag:s14] =	ssyncset.done $0x0  }
0x12e: {  	s2 =	rddreg [dreg:$0x9];
	[sflag:s14] =	ssyncadd.s32 $0xFFFF8000  }
0x12f: {  	[tilespmem:s3], [sflag:$0x2] =	stream.linear.gather [hbm4b:s2+s3], $0x80, $0x38;
	[tilespmem:$0x8080] =	vst v63  }
0x130: {  	_ =	swait.ge [sflag:s14], $0x80  }
0x131: {  	[sflag:s14] =	ssyncset.done $0x0  }
0x132: {  	[sflag:s14] =	ssyncadd.s32 $0xFFFFFF80  }
0x133: {  	v3 =	vld [tilespmem:$0x0];
	_ =	sdelay $0x4  }
0x134: {  	v24 =	vshll.u32 v3, $0x1  }
0x135: {  	v3 =	vand.u32 $0x7, v3;
	v4 =	vand.u32 $0xFFFFFFF0, v24  }
0x136: {  	v3 =	vor.u32 v3, v4  }
0x137: {  	v4 =	vperm.xlane v3, v0;
	_ =	sdelay $0x1  }
0x138: {  	v3 =	vperm.xlane v3, v2;
	v4 =	vadd.s32 v1, v4;
	_ =	sdelay $0x1  }
0x139: {  	v3 =	vadd.s32 v1, v3;
	_ =	sdelay $0x2  }
0x13a: {  	[tilespmem:s15], [sflag:$0x1] =	stream.indirect_vreg.gather [hbm4b:s1+s3], $0x80, v4, vm0, $0xb8;
	[tilespmem:$0x8080] =	vst v63  }
0x13b: {  	_ = 	snop  }
0x13c: {  	[tilespmem:s16], [sflag:$0x1] =	stream.indirect_vreg.gather [hbm4b:s1+s3], $0x80, v3, vm0, $0xb8;
	[tilespmem:$0x8080] =	vst v63  }
0x13d: {  	v3 =	vld [tilespmem:$0x10];
	_ =	sdelay $0x4  }
0x13e: {  	v25 =	vshll.u32 v3, $0x1  }
0x13f: {  	v3 =	vand.u32 $0x7, v3;
	v4 =	vand.u32 $0xFFFFFFF0, v25  }
0x140: {  	v3 =	vor.u32 v3, v4  }
0x141: {  	v4 =	vperm.xlane v3, v0;
	_ =	sdelay $0x1  }
0x142: {  	v3 =	vperm.xlane v3, v2;
	v4 =	vadd.s32 v1, v4;
	_ =	sdelay $0x1  }
0x143: {  	v3 =	vadd.s32 v1, v3;
	_ =	sdelay $0x2  }
0x144: {  	[tilespmem:s17], [sflag:$0x1] =	stream.indirect_vreg.gather [hbm4b:s1+s3], $0x80, v4, vm0, $0xb8;
	[tilespmem:$0x8080] =	vst v63  }
0x145: {  	_ = 	snop  }
0x146: {  	[tilespmem:s18], [sflag:$0x1] =	stream.indirect_vreg.gather [hbm4b:s1+s3], $0x80, v3, vm0, $0xb8;
	[tilespmem:$0x8080] =	vst v63  }
0x147: {  	v3 =	vld [tilespmem:$0x20];
	_ =	sdelay $0x4  }
0x148: {  	v26 =	vshll.u32 v3, $0x1  }
0x149: {  	v3 =	vand.u32 $0x7, v3;
	v4 =	vand.u32 $0xFFFFFFF0, v26  }
0x14a: {  	v3 =	vor.u32 v3, v4  }
0x14b: {  	v4 =	vperm.xlane v3, v0;
	_ =	sdelay $0x1  }
0x14c: {  	v3 =	vperm.xlane v3, v2;
	v4 =	vadd.s32 v1, v4;
	_ =	sdelay $0x1  }
0x14d: {  	v3 =	vadd.s32 v1, v3;
	_ =	sdelay $0x2  }
0x14e: {  	[tilespmem:s19], [sflag:$0x1] =	stream.indirect_vreg.gather [hbm4b:s1+s3], $0x80, v4, vm0, $0xb8;
	[tilespmem:$0x8080] =	vst v63  }
0x14f: {  	_ = 	snop  }
0x150: {  	[tilespmem:s20], [sflag:$0x1] =	stream.indirect_vreg.gather [hbm4b:s1+s3], $0x80, v3, vm0, $0xb8;
	[tilespmem:$0x8080] =	vst v63  }
0x151: {  	v3 =	vld [tilespmem:$0x30];
	_ =	sdelay $0x4  }
0x152: {  	v27 =	vshll.u32 v3, $0x1  }
0x153: {  	v3 =	vand.u32 $0x7, v3;
	v4 =	vand.u32 $0xFFFFFFF0, v27  }
0x154: {  	v3 =	vor.u32 v3, v4  }
0x155: {  	v4 =	vperm.xlane v3, v0;
	_ =	sdelay $0x1  }
0x156: {  	v3 =	vperm.xlane v3, v2;
	v4 =	vadd.s32 v1, v4;
	_ =	sdelay $0x1  }
0x157: {  	v3 =	vadd.s32 v1, v3;
	_ =	sdelay $0x2  }
0x158: {  	[tilespmem:s21], [sflag:$0x1] =	stream.indirect_vreg.gather [hbm4b:s1+s3], $0x80, v4, vm0, $0xb8;
	[tilespmem:$0x8080] =	vst v63  }
0x159: {  	_ = 	snop  }
0x15a: {  	[tilespmem:s22], [sflag:$0x1] =	stream.indirect_vreg.gather [hbm4b:s1+s3], $0x80, v3, vm0, $0xb8;
	[tilespmem:$0x8080] =	vst v63  }
0x15b: {  	v3 =	vld [tilespmem:$0x40];
	_ =	sdelay $0x4  }
0x15c: {  	v28 =	vshll.u32 v3, $0x1  }
0x15d: {  	v3 =	vand.u32 $0x7, v3;
	v4 =	vand.u32 $0xFFFFFFF0, v28  }
0x15e: {  	v3 =	vor.u32 v3, v4  }
0x15f: {  	v4 =	vperm.xlane v3, v0;
	_ =	sdelay $0x1  }
0x160: {  	v3 =	vperm.xlane v3, v2;
	v4 =	vadd.s32 v1, v4;
	_ =	sdelay $0x1  }
0x161: {  	v3 =	vadd.s32 v1, v3;
	_ =	sdelay $0x2  }
0x162: {  	[tilespmem:s23], [sflag:$0x1] =	stream.indirect_vreg.gather [hbm4b:s1+s3], $0x80, v4, vm0, $0xb8;
	[tilespmem:$0x8080] =	vst v63  }
0x163: {  	_ = 	snop  }
0x164: {  	[tilespmem:s24], [sflag:$0x1] =	stream.indirect_vreg.gather [hbm4b:s1+s3], $0x80, v3, vm0, $0xb8;
	[tilespmem:$0x8080] =	vst v63  }
0x165: {  	v3 =	vld [tilespmem:$0x50];
	_ =	sdelay $0x4  }
0x166: {  	v29 =	vshll.u32 v3, $0x1  }
0x167: {  	v3 =	vand.u32 $0x7, v3;
	v4 =	vand.u32 $0xFFFFFFF0, v29  }
0x168: {  	v3 =	vor.u32 v3, v4  }
0x169: {  	v4 =	vperm.xlane v3, v0;
	_ =	sdelay $0x1  }
0x16a: {  	v3 =	vperm.xlane v3, v2;
	v4 =	vadd.s32 v1, v4;
	_ =	sdelay $0x1  }
0x16b: {  	v3 =	vadd.s32 v1, v3;
	_ =	sdelay $0x2  }
0x16c: {  	[tilespmem:s25], [sflag:$0x1] =	stream.indirect_vreg.gather [hbm4b:s1+s3], $0x80, v4, vm0, $0xb8;
	[tilespmem:$0x8080] =	vst v63  }
0x16d: {  	_ = 	snop  }
0x16e: {  	[tilespmem:s26], [sflag:$0x1] =	stream.indirect_vreg.gather [hbm4b:s1+s3], $0x80, v3, vm0, $0xb8;
	[tilespmem:$0x8080] =	vst v63  }
0x16f: {  	v3 =	vld [tilespmem:$0x60];
	_ =	sdelay $0x4  }
0x170: {  	v30 =	vshll.u32 v3, $0x1  }
0x171: {  	v3 =	vand.u32 $0x7, v3;
	v4 =	vand.u32 $0xFFFFFFF0, v30  }
0x172: {  	v3 =	vor.u32 v3, v4  }
0x173: {  	v4 =	vperm.xlane v3, v0;
	_ =	sdelay $0x1  }
0x174: {  	v3 =	vperm.xlane v3, v2;
	v4 =	vadd.s32 v1, v4;
	_ =	sdelay $0x1  }
0x175: {  	v3 =	vadd.s32 v1, v3;
	_ =	sdelay $0x2  }
0x176: {  	[tilespmem:s28], [sflag:$0x1] =	stream.indirect_vreg.gather [hbm4b:s1+s3], $0x80, v4, vm0, $0xb8;
	[tilespmem:$0x8080] =	vst v63  }
0x177: {  	_ = 	snop  }
0x178: {  	[tilespmem:s29], [sflag:$0x1] =	stream.indirect_vreg.gather [hbm4b:s1+s3], $0x80, v3, vm0, $0xb8;
	[tilespmem:$0x8080] =	vst v63  }
0x179: {  	v3 =	vld [tilespmem:$0x70];
	_ =	sdelay $0x4  }
0x17a: {  	v31 =	vshll.u32 v3, $0x1  }
0x17b: {  	v3 =	vand.u32 $0x7, v3;
	v4 =	vand.u32 $0xFFFFFFF0, v31  }
0x17c: {  	v3 =	vor.u32 v3, v4  }
0x17d: {  	v4 =	vperm.xlane v3, v0;
	_ =	sdelay $0x1  }
0x17e: {  	v3 =	vperm.xlane v3, v2;
	v4 =	vadd.s32 v1, v4;
	_ =	sdelay $0x1  }
0x17f: {  	v3 =	vadd.s32 v1, v3;
	_ =	sdelay $0x2  }
0x180: {  	[tilespmem:s30], [sflag:$0x1] =	stream.indirect_vreg.gather [hbm4b:s1+s3], $0x80, v4, vm0, $0xb8;
	[tilespmem:$0x8080] =	vst v63  }
0x181: {  	_ = 	snop  }
0x182: {  	[tilespmem:s31], [sflag:$0x1] =	stream.indirect_vreg.gather [hbm4b:s1+s3], $0x80, v3, vm0, $0xb8;
	[tilespmem:$0x8080] =	vst v63  }
0x183: {  	_ =	swait.ge [sflag:s0], $0x8000  }
0x184: {  	[sflag:s0] =	ssyncset.done $0x0  }
0x185: {  	[sflag:s0] =	ssyncadd.s32 $0xFFFF8000  }
0x186: {  	[hbm4b:s4+s3] =	stream.linear.scatter [tilespmem:s15], [sflag:$0x2], $0x8000, $0x38;
	[tilespmem:$0x8080] =	vst v63  }
0x187: {  	_ =	swait.ge [sflag:s14], $0x8000  }
0x188: {  	[sflag:s14] =	ssyncset.done $0x0  }
0x189: {  	[sflag:s14] =	ssyncadd.s32 $0xFFFF8000  }
0x18a: {  	[tilespmem:s3], [sflag:$0x2] =	stream.linear.gather [hbm4b:s5+s3], $0x80, $0x38;
	[tilespmem:$0x8080] =	vst v63  }
0x18b: {  	_ =	swait.ge [sflag:s14], $0x80  }
0x18c: {  	[sflag:s14] =	ssyncset.done $0x0  }
0x18d: {  	[sflag:s14] =	ssyncadd.s32 $0xFFFFFF80  }
0x18e: {  	v3 =	vld [tilespmem:$0x0];
	_ =	sdelay $0x4  }
0x18f: {  	v32 =	vshll.u32 v3, $0x1  }
0x190: {  	v3 =	vand.u32 $0x7, v3;
	v4 =	vand.u32 $0xFFFFFFF0, v32  }
0x191: {  	v3 =	vor.u32 v3, v4  }
0x192: {  	v4 =	vperm.xlane v3, v0;
	_ =	sdelay $0x1  }
0x193: {  	v3 =	vperm.xlane v3, v2;
	v4 =	vadd.s32 v1, v4;
	_ =	sdelay $0x1  }
0x194: {  	v3 =	vadd.s32 v1, v3;
	_ =	sdelay $0x2  }
0x195: {  	[tilespmem:s15], [sflag:$0x1] =	stream.indirect_vreg.gather [hbm4b:s1+s3], $0x80, v4, vm0, $0xb8;
	[tilespmem:$0x8080] =	vst v63  }
0x196: {  	_ = 	snop  }
0x197: {  	[tilespmem:s16], [sflag:$0x1] =	stream.indirect_vreg.gather [hbm4b:s1+s3], $0x80, v3, vm0, $0xb8;
	[tilespmem:$0x8080] =	vst v63  }
0x198: {  	v3 =	vld [tilespmem:$0x10];
	_ =	sdelay $0x4  }
0x199: {  	v33 =	vshll.u32 v3, $0x1  }
0x19a: {  	v3 =	vand.u32 $0x7, v3;
	v4 =	vand.u32 $0xFFFFFFF0, v33  }
0x19b: {  	v3 =	vor.u32 v3, v4  }
0x19c: {  	v4 =	vperm.xlane v3, v0;
	_ =	sdelay $0x1  }
0x19d: {  	v3 =	vperm.xlane v3, v2;
	v4 =	vadd.s32 v1, v4;
	_ =	sdelay $0x1  }
0x19e: {  	v3 =	vadd.s32 v1, v3;
	_ =	sdelay $0x2  }
0x19f: {  	[tilespmem:s17], [sflag:$0x1] =	stream.indirect_vreg.gather [hbm4b:s1+s3], $0x80, v4, vm0, $0xb8;
	[tilespmem:$0x8080] =	vst v63  }
0x1a0: {  	_ = 	snop  }
0x1a1: {  	[tilespmem:s18], [sflag:$0x1] =	stream.indirect_vreg.gather [hbm4b:s1+s3], $0x80, v3, vm0, $0xb8;
	[tilespmem:$0x8080] =	vst v63  }
0x1a2: {  	v3 =	vld [tilespmem:$0x20];
	_ =	sdelay $0x4  }
0x1a3: {  	v34 =	vshll.u32 v3, $0x1  }
0x1a4: {  	v3 =	vand.u32 $0x7, v3;
	v4 =	vand.u32 $0xFFFFFFF0, v34  }
0x1a5: {  	v3 =	vor.u32 v3, v4  }
0x1a6: {  	v4 =	vperm.xlane v3, v0;
	_ =	sdelay $0x1  }
0x1a7: {  	v3 =	vperm.xlane v3, v2;
	v4 =	vadd.s32 v1, v4;
	_ =	sdelay $0x1  }
0x1a8: {  	v3 =	vadd.s32 v1, v3;
	_ =	sdelay $0x2  }
0x1a9: {  	[tilespmem:s19], [sflag:$0x1] =	stream.indirect_vreg.gather [hbm4b:s1+s3], $0x80, v4, vm0, $0xb8;
	[tilespmem:$0x8080] =	vst v63  }
0x1aa: {  	_ = 	snop  }
0x1ab: {  	[tilespmem:s20], [sflag:$0x1] =	stream.indirect_vreg.gather [hbm4b:s1+s3], $0x80, v3, vm0, $0xb8;
	[tilespmem:$0x8080] =	vst v63  }
0x1ac: {  	v3 =	vld [tilespmem:$0x30];
	_ =	sdelay $0x4  }
0x1ad: {  	v35 =	vshll.u32 v3, $0x1  }
0x1ae: {  	v3 =	vand.u32 $0x7, v3;
	v4 =	vand.u32 $0xFFFFFFF0, v35  }
0x1af: {  	v3 =	vor.u32 v3, v4  }
0x1b0: {  	v4 =	vperm.xlane v3, v0;
	_ =	sdelay $0x1  }
0x1b1: {  	v3 =	vperm.xlane v3, v2;
	v4 =	vadd.s32 v1, v4;
	_ =	sdelay $0x1  }
0x1b2: {  	v3 =	vadd.s32 v1, v3;
	_ =	sdelay $0x2  }
0x1b3: {  	[tilespmem:s21], [sflag:$0x1] =	stream.indirect_vreg.gather [hbm4b:s1+s3], $0x80, v4, vm0, $0xb8;
	[tilespmem:$0x8080] =	vst v63  }
0x1b4: {  	_ = 	snop  }
0x1b5: {  	[tilespmem:s22], [sflag:$0x1] =	stream.indirect_vreg.gather [hbm4b:s1+s3], $0x80, v3, vm0, $0xb8;
	[tilespmem:$0x8080] =	vst v63  }
0x1b6: {  	v3 =	vld [tilespmem:$0x40];
	_ =	sdelay $0x4  }
0x1b7: {  	v36 =	vshll.u32 v3, $0x1  }
0x1b8: {  	v3 =	vand.u32 $0x7, v3;
	v4 =	vand.u32 $0xFFFFFFF0, v36  }
0x1b9: {  	v3 =	vor.u32 v3, v4  }
0x1ba: {  	v4 =	vperm.xlane v3, v0;
	_ =	sdelay $0x1  }
0x1bb: {  	v3 =	vperm.xlane v3, v2;
	v4 =	vadd.s32 v1, v4;
	_ =	sdelay $0x1  }
0x1bc: {  	v3 =	vadd.s32 v1, v3;
	_ =	sdelay $0x2  }
0x1bd: {  	[tilespmem:s23], [sflag:$0x1] =	stream.indirect_vreg.gather [hbm4b:s1+s3], $0x80, v4, vm0, $0xb8;
	[tilespmem:$0x8080] =	vst v63  }
0x1be: {  	_ = 	snop  }
0x1bf: {  	[tilespmem:s24], [sflag:$0x1] =	stream.indirect_vreg.gather [hbm4b:s1+s3], $0x80, v3, vm0, $0xb8;
	[tilespmem:$0x8080] =	vst v63  }
0x1c0: {  	v3 =	vld [tilespmem:$0x50];
	_ =	sdelay $0x4  }
0x1c1: {  	v37 =	vshll.u32 v3, $0x1  }
0x1c2: {  	v3 =	vand.u32 $0x7, v3;
	v4 =	vand.u32 $0xFFFFFFF0, v37  }
0x1c3: {  	v3 =	vor.u32 v3, v4  }
0x1c4: {  	v4 =	vperm.xlane v3, v0;
	_ =	sdelay $0x1  }
0x1c5: {  	v3 =	vperm.xlane v3, v2;
	v4 =	vadd.s32 v1, v4;
	_ =	sdelay $0x1  }
0x1c6: {  	v3 =	vadd.s32 v1, v3;
	_ =	sdelay $0x2  }
0x1c7: {  	[tilespmem:s25], [sflag:$0x1] =	stream.indirect_vreg.gather [hbm4b:s1+s3], $0x80, v4, vm0, $0xb8;
	[tilespmem:$0x8080] =	vst v63  }
0x1c8: {  	_ = 	snop  }
0x1c9: {  	[tilespmem:s26], [sflag:$0x1] =	stream.indirect_vreg.gather [hbm4b:s1+s3], $0x80, v3, vm0, $0xb8;
	[tilespmem:$0x8080] =	vst v63  }
0x1ca: {  	v3 =	vld [tilespmem:$0x60];
	_ =	sdelay $0x4  }
0x1cb: {  	v38 =	vshll.u32 v3, $0x1  }
0x1cc: {  	v3 =	vand.u32 $0x7, v3;
	v4 =	vand.u32 $0xFFFFFFF0, v38  }
0x1cd: {  	v3 =	vor.u32 v3, v4  }
0x1ce: {  	v4 =	vperm.xlane v3, v0;
	_ =	sdelay $0x1  }
0x1cf: {  	v3 =	vperm.xlane v3, v2;
	v4 =	vadd.s32 v1, v4;
	_ =	sdelay $0x1  }
0x1d0: {  	v3 =	vadd.s32 v1, v3;
	_ =	sdelay $0x2  }
0x1d1: {  	[tilespmem:s28], [sflag:$0x1] =	stream.indirect_vreg.gather [hbm4b:s1+s3], $0x80, v4, vm0, $0xb8;
	[tilespmem:$0x8080] =	vst v63  }
0x1d2: {  	_ = 	snop  }
0x1d3: {  	[tilespmem:s29], [sflag:$0x1] =	stream.indirect_vreg.gather [hbm4b:s1+s3], $0x80, v3, vm0, $0xb8;
	[tilespmem:$0x8080] =	vst v63  }
0x1d4: {  	v3 =	vld [tilespmem:$0x70];
	_ =	sdelay $0x4  }
0x1d5: {  	v39 =	vshll.u32 v3, $0x1  }
0x1d6: {  	v3 =	vand.u32 $0x7, v3;
	v4 =	vand.u32 $0xFFFFFFF0, v39  }
0x1d7: {  	v3 =	vor.u32 v3, v4  }
0x1d8: {  	v4 =	vperm.xlane v3, v0;
	_ =	sdelay $0x1  }
0x1d9: {  	v3 =	vperm.xlane v3, v2;
	v4 =	vadd.s32 v1, v4;
	_ =	sdelay $0x1  }
0x1da: {  	v3 =	vadd.s32 v1, v3;
	_ =	sdelay $0x2  }
0x1db: {  	[tilespmem:s30], [sflag:$0x1] =	stream.indirect_vreg.gather [hbm4b:s1+s3], $0x80, v4, vm0, $0xb8;
	[tilespmem:$0x8080] =	vst v63  }
0x1dc: {  	_ = 	snop  }
0x1dd: {  	[tilespmem:s31], [sflag:$0x1] =	stream.indirect_vreg.gather [hbm4b:s1+s3], $0x80, v3, vm0, $0xb8;
	[tilespmem:$0x8080] =	vst v63  }
0x1de: {  	_ =	swait.ge [sflag:s0], $0x8000  }
0x1df: {  	[sflag:s0] =	ssyncset.done $0x0  }
0x1e0: {  	[sflag:s0] =	ssyncadd.s32 $0xFFFF8000  }
0x1e1: {  	[hbm4b:s6+s3] =	stream.linear.scatter [tilespmem:s15], [sflag:$0x2], $0x8000, $0x38;
	[tilespmem:$0x8080] =	vst v63  }
0x1e2: {  	_ =	swait.ge [sflag:s14], $0x8000  }
0x1e3: {  	[sflag:s14] =	ssyncset.done $0x0  }
0x1e4: {  	[sflag:s14] =	ssyncadd.s32 $0xFFFF8000  }
0x1e5: {  	[tilespmem:s3], [sflag:$0x2] =	stream.linear.gather [hbm4b:s7+s3], $0x80, $0x38;
	[tilespmem:$0x8080] =	vst v63  }
0x1e6: {  	_ =	swait.ge [sflag:s14], $0x80  }
0x1e7: {  	[sflag:s14] =	ssyncset.done $0x0  }
0x1e8: {  	[sflag:s14] =	ssyncadd.s32 $0xFFFFFF80  }
0x1e9: {  	v3 =	vld [tilespmem:$0x0];
	_ =	sdelay $0x4  }
0x1ea: {  	v40 =	vshll.u32 v3, $0x1  }
0x1eb: {  	v3 =	vand.u32 $0x7, v3;
	v4 =	vand.u32 $0xFFFFFFF0, v40  }
0x1ec: {  	v3 =	vor.u32 v3, v4  }
0x1ed: {  	v4 =	vperm.xlane v3, v0;
	_ =	sdelay $0x1  }
0x1ee: {  	v3 =	vperm.xlane v3, v2;
	v4 =	vadd.s32 v1, v4;
	_ =	sdelay $0x1  }
0x1ef: {  	v3 =	vadd.s32 v1, v3;
	_ =	sdelay $0x2  }
0x1f0: {  	[tilespmem:s15], [sflag:$0x1] =	stream.indirect_vreg.gather [hbm4b:s1+s3], $0x80, v4, vm0, $0xb8;
	[tilespmem:$0x8080] =	vst v63  }
0x1f1: {  	_ = 	snop  }
0x1f2: {  	[tilespmem:s16], [sflag:$0x1] =	stream.indirect_vreg.gather [hbm4b:s1+s3], $0x80, v3, vm0, $0xb8;
	[tilespmem:$0x8080] =	vst v63  }
0x1f3: {  	v3 =	vld [tilespmem:$0x10];
	_ =	sdelay $0x4  }
0x1f4: {  	v41 =	vshll.u32 v3, $0x1  }
0x1f5: {  	v3 =	vand.u32 $0x7, v3;
	v4 =	vand.u32 $0xFFFFFFF0, v41  }
0x1f6: {  	v3 =	vor.u32 v3, v4  }
0x1f7: {  	v4 =	vperm.xlane v3, v0;
	_ =	sdelay $0x1  }
0x1f8: {  	v3 =	vperm.xlane v3, v2;
	v4 =	vadd.s32 v1, v4;
	_ =	sdelay $0x1  }
0x1f9: {  	v3 =	vadd.s32 v1, v3;
	_ =	sdelay $0x2  }
0x1fa: {  	[tilespmem:s17], [sflag:$0x1] =	stream.indirect_vreg.gather [hbm4b:s1+s3], $0x80, v4, vm0, $0xb8;
	[tilespmem:$0x8080] =	vst v63  }
0x1fb: {  	_ = 	snop  }
0x1fc: {  	[tilespmem:s18], [sflag:$0x1] =	stream.indirect_vreg.gather [hbm4b:s1+s3], $0x80, v3, vm0, $0xb8;
	[tilespmem:$0x8080] =	vst v63  }
0x1fd: {  	v3 =	vld [tilespmem:$0x20];
	_ =	sdelay $0x4  }
0x1fe: {  	v42 =	vshll.u32 v3, $0x1  }
0x1ff: {  	v3 =	vand.u32 $0x7, v3;
	v4 =	vand.u32 $0xFFFFFFF0, v42  }
0x200: {  	v3 =	vor.u32 v3, v4  }
0x201: {  	v4 =	vperm.xlane v3, v0;
	_ =	sdelay $0x1  }
0x202: {  	v3 =	vperm.xlane v3, v2;
	v4 =	vadd.s32 v1, v4;
	_ =	sdelay $0x1  }
0x203: {  	v3 =	vadd.s32 v1, v3;
	_ =	sdelay $0x2  }
0x204: {  	[tilespmem:s19], [sflag:$0x1] =	stream.indirect_vreg.gather [hbm4b:s1+s3], $0x80, v4, vm0, $0xb8;
	[tilespmem:$0x8080] =	vst v63  }
0x205: {  	_ = 	snop  }
0x206: {  	[tilespmem:s20], [sflag:$0x1] =	stream.indirect_vreg.gather [hbm4b:s1+s3], $0x80, v3, vm0, $0xb8;
	[tilespmem:$0x8080] =	vst v63  }
0x207: {  	v3 =	vld [tilespmem:$0x30];
	_ =	sdelay $0x4  }
0x208: {  	v43 =	vshll.u32 v3, $0x1  }
0x209: {  	v3 =	vand.u32 $0x7, v3;
	v4 =	vand.u32 $0xFFFFFFF0, v43  }
0x20a: {  	v3 =	vor.u32 v3, v4  }
0x20b: {  	v4 =	vperm.xlane v3, v0;
	_ =	sdelay $0x1  }
0x20c: {  	v3 =	vperm.xlane v3, v2;
	v4 =	vadd.s32 v1, v4;
	_ =	sdelay $0x1  }
0x20d: {  	v3 =	vadd.s32 v1, v3;
	_ =	sdelay $0x2  }
0x20e: {  	[tilespmem:s21], [sflag:$0x1] =	stream.indirect_vreg.gather [hbm4b:s1+s3], $0x80, v4, vm0, $0xb8;
	[tilespmem:$0x8080] =	vst v63  }
0x20f: {  	_ = 	snop  }
0x210: {  	[tilespmem:s22], [sflag:$0x1] =	stream.indirect_vreg.gather [hbm4b:s1+s3], $0x80, v3, vm0, $0xb8;
	[tilespmem:$0x8080] =	vst v63  }
0x211: {  	v3 =	vld [tilespmem:$0x40];
	_ =	sdelay $0x4  }
0x212: {  	v44 =	vshll.u32 v3, $0x1  }
0x213: {  	v3 =	vand.u32 $0x7, v3;
	v4 =	vand.u32 $0xFFFFFFF0, v44  }
0x214: {  	v3 =	vor.u32 v3, v4  }
0x215: {  	v4 =	vperm.xlane v3, v0;
	_ =	sdelay $0x1  }
0x216: {  	v3 =	vperm.xlane v3, v2;
	v4 =	vadd.s32 v1, v4;
	_ =	sdelay $0x1  }
0x217: {  	v3 =	vadd.s32 v1, v3;
	_ =	sdelay $0x2  }
0x218: {  	[tilespmem:s23], [sflag:$0x1] =	stream.indirect_vreg.gather [hbm4b:s1+s3], $0x80, v4, vm0, $0xb8;
	[tilespmem:$0x8080] =	vst v63  }
0x219: {  	_ = 	snop  }
0x21a: {  	[tilespmem:s24], [sflag:$0x1] =	stream.indirect_vreg.gather [hbm4b:s1+s3], $0x80, v3, vm0, $0xb8;
	[tilespmem:$0x8080] =	vst v63  }
0x21b: {  	v3 =	vld [tilespmem:$0x50];
	_ =	sdelay $0x4  }
0x21c: {  	v45 =	vshll.u32 v3, $0x1  }
0x21d: {  	v3 =	vand.u32 $0x7, v3;
	v4 =	vand.u32 $0xFFFFFFF0, v45  }
0x21e: {  	v3 =	vor.u32 v3, v4  }
0x21f: {  	v4 =	vperm.xlane v3, v0;
	_ =	sdelay $0x1  }
0x220: {  	v3 =	vperm.xlane v3, v2;
	v4 =	vadd.s32 v1, v4;
	_ =	sdelay $0x1  }
0x221: {  	v3 =	vadd.s32 v1, v3;
	_ =	sdelay $0x2  }
0x222: {  	[tilespmem:s25], [sflag:$0x1] =	stream.indirect_vreg.gather [hbm4b:s1+s3], $0x80, v4, vm0, $0xb8;
	[tilespmem:$0x8080] =	vst v63  }
0x223: {  	_ = 	snop  }
0x224: {  	[tilespmem:s26], [sflag:$0x1] =	stream.indirect_vreg.gather [hbm4b:s1+s3], $0x80, v3, vm0, $0xb8;
	[tilespmem:$0x8080] =	vst v63  }
0x225: {  	v3 =	vld [tilespmem:$0x60];
	_ =	sdelay $0x4  }
0x226: {  	v46 =	vshll.u32 v3, $0x1  }
0x227: {  	v3 =	vand.u32 $0x7, v3;
	v4 =	vand.u32 $0xFFFFFFF0, v46  }
0x228: {  	v3 =	vor.u32 v3, v4  }
0x229: {  	v4 =	vperm.xlane v3, v0;
	_ =	sdelay $0x1  }
0x22a: {  	v3 =	vperm.xlane v3, v2;
	v4 =	vadd.s32 v1, v4;
	_ =	sdelay $0x1  }
0x22b: {  	v3 =	vadd.s32 v1, v3;
	_ =	sdelay $0x2  }
0x22c: {  	[tilespmem:s28], [sflag:$0x1] =	stream.indirect_vreg.gather [hbm4b:s1+s3], $0x80, v4, vm0, $0xb8;
	[tilespmem:$0x8080] =	vst v63  }
0x22d: {  	_ = 	snop  }
0x22e: {  	[tilespmem:s29], [sflag:$0x1] =	stream.indirect_vreg.gather [hbm4b:s1+s3], $0x80, v3, vm0, $0xb8;
	[tilespmem:$0x8080] =	vst v63  }
0x22f: {  	v3 =	vld [tilespmem:$0x70];
	_ =	sdelay $0x4  }
0x230: {  	v47 =	vshll.u32 v3, $0x1  }
0x231: {  	v3 =	vand.u32 $0x7, v3;
	v4 =	vand.u32 $0xFFFFFFF0, v47  }
0x232: {  	v3 =	vor.u32 v3, v4  }
0x233: {  	v4 =	vperm.xlane v3, v0;
	_ =	sdelay $0x1  }
0x234: {  	v3 =	vperm.xlane v3, v2;
	v4 =	vadd.s32 v1, v4;
	_ =	sdelay $0x1  }
0x235: {  	v3 =	vadd.s32 v1, v3;
	_ =	sdelay $0x2  }
0x236: {  	[tilespmem:s30], [sflag:$0x1] =	stream.indirect_vreg.gather [hbm4b:s1+s3], $0x80, v4, vm0, $0xb8;
	[tilespmem:$0x8080] =	vst v63  }
0x237: {  	_ = 	snop  }
0x238: {  	[tilespmem:s31], [sflag:$0x1] =	stream.indirect_vreg.gather [hbm4b:s1+s3], $0x80, v3, vm0, $0xb8;
	[tilespmem:$0x8080] =	vst v63  }
0x239: {  	_ =	swait.ge [sflag:s0], $0x8000  }
0x23a: {  	[sflag:s0] =	ssyncset.done $0x0  }
0x23b: {  	[sflag:s0] =	ssyncadd.s32 $0xFFFF8000  }
0x23c: {  	[hbm4b:s8+s3] =	stream.linear.scatter [tilespmem:s15], [sflag:$0x2], $0x8000, $0x38;
	[tilespmem:$0x8080] =	vst v63  }
0x23d: {  	_ =	swait.ge [sflag:s14], $0x8000  }
0x23e: {  	[sflag:s14] =	ssyncset.done $0x0  }
0x23f: {  	[sflag:s14] =	ssyncadd.s32 $0xFFFF8000  }
0x240: {  	[tilespmem:s3], [sflag:$0x2] =	stream.linear.gather [hbm4b:s9+s3], $0x80, $0x38;
	[tilespmem:$0x8080] =	vst v63  }
0x241: {  	_ =	swait.ge [sflag:s14], $0x80  }
0x242: {  	[sflag:s14] =	ssyncset.done $0x0  }
0x243: {  	[sflag:s14] =	ssyncadd.s32 $0xFFFFFF80  }
0x244: {  	v3 =	vld [tilespmem:$0x0];
	_ =	sdelay $0x4  }
0x245: {  	v48 =	vshll.u32 v3, $0x1  }
0x246: {  	v3 =	vand.u32 $0x7, v3;
	v4 =	vand.u32 $0xFFFFFFF0, v48  }
0x247: {  	v3 =	vor.u32 v3, v4  }
0x248: {  	v4 =	vperm.xlane v3, v0;
	_ =	sdelay $0x1  }
0x249: {  	v3 =	vperm.xlane v3, v2;
	v4 =	vadd.s32 v1, v4;
	_ =	sdelay $0x1  }
0x24a: {  	v3 =	vadd.s32 v1, v3;
	_ =	sdelay $0x2  }
0x24b: {  	[tilespmem:s15], [sflag:$0x1] =	stream.indirect_vreg.gather [hbm4b:s1+s3], $0x80, v4, vm0, $0xb8;
	[tilespmem:$0x8080] =	vst v63  }
0x24c: {  	_ = 	snop  }
0x24d: {  	[tilespmem:s16], [sflag:$0x1] =	stream.indirect_vreg.gather [hbm4b:s1+s3], $0x80, v3, vm0, $0xb8;
	[tilespmem:$0x8080] =	vst v63  }
0x24e: {  	v3 =	vld [tilespmem:$0x10];
	_ =	sdelay $0x4  }
0x24f: {  	v49 =	vshll.u32 v3, $0x1  }
0x250: {  	v3 =	vand.u32 $0x7, v3;
	v4 =	vand.u32 $0xFFFFFFF0, v49  }
0x251: {  	v3 =	vor.u32 v3, v4  }
0x252: {  	v4 =	vperm.xlane v3, v0;
	_ =	sdelay $0x1  }
0x253: {  	v3 =	vperm.xlane v3, v2;
	v4 =	vadd.s32 v1, v4;
	_ =	sdelay $0x1  }
0x254: {  	v3 =	vadd.s32 v1, v3;
	_ =	sdelay $0x2  }
0x255: {  	[tilespmem:s17], [sflag:$0x1] =	stream.indirect_vreg.gather [hbm4b:s1+s3], $0x80, v4, vm0, $0xb8;
	[tilespmem:$0x8080] =	vst v63  }
0x256: {  	_ = 	snop  }
0x257: {  	[tilespmem:s18], [sflag:$0x1] =	stream.indirect_vreg.gather [hbm4b:s1+s3], $0x80, v3, vm0, $0xb8;
	[tilespmem:$0x8080] =	vst v63  }
0x258: {  	v3 =	vld [tilespmem:$0x20];
	_ =	sdelay $0x4  }
0x259: {  	v50 =	vshll.u32 v3, $0x1  }
0x25a: {  	v3 =	vand.u32 $0x7, v3;
	v4 =	vand.u32 $0xFFFFFFF0, v50  }
0x25b: {  	v3 =	vor.u32 v3, v4  }
0x25c: {  	v4 =	vperm.xlane v3, v0;
	_ =	sdelay $0x1  }
0x25d: {  	v3 =	vperm.xlane v3, v2;
	v4 =	vadd.s32 v1, v4;
	_ =	sdelay $0x1  }
0x25e: {  	v3 =	vadd.s32 v1, v3;
	_ =	sdelay $0x2  }
0x25f: {  	[tilespmem:s19], [sflag:$0x1] =	stream.indirect_vreg.gather [hbm4b:s1+s3], $0x80, v4, vm0, $0xb8;
	[tilespmem:$0x8080] =	vst v63  }
0x260: {  	_ = 	snop  }
0x261: {  	[tilespmem:s20], [sflag:$0x1] =	stream.indirect_vreg.gather [hbm4b:s1+s3], $0x80, v3, vm0, $0xb8;
	[tilespmem:$0x8080] =	vst v63  }
0x262: {  	v3 =	vld [tilespmem:$0x30];
	_ =	sdelay $0x4  }
0x263: {  	v51 =	vshll.u32 v3, $0x1  }
0x264: {  	v3 =	vand.u32 $0x7, v3;
	v4 =	vand.u32 $0xFFFFFFF0, v51  }
0x265: {  	v3 =	vor.u32 v3, v4  }
0x266: {  	v4 =	vperm.xlane v3, v0;
	_ =	sdelay $0x1  }
0x267: {  	v3 =	vperm.xlane v3, v2;
	v4 =	vadd.s32 v1, v4;
	_ =	sdelay $0x1  }
0x268: {  	v3 =	vadd.s32 v1, v3;
	_ =	sdelay $0x2  }
0x269: {  	[tilespmem:s21], [sflag:$0x1] =	stream.indirect_vreg.gather [hbm4b:s1+s3], $0x80, v4, vm0, $0xb8;
	[tilespmem:$0x8080] =	vst v63  }
0x26a: {  	_ = 	snop  }
0x26b: {  	[tilespmem:s22], [sflag:$0x1] =	stream.indirect_vreg.gather [hbm4b:s1+s3], $0x80, v3, vm0, $0xb8;
	[tilespmem:$0x8080] =	vst v63  }
0x26c: {  	v3 =	vld [tilespmem:$0x40];
	_ =	sdelay $0x4  }
0x26d: {  	v52 =	vshll.u32 v3, $0x1  }
0x26e: {  	v3 =	vand.u32 $0x7, v3;
	v4 =	vand.u32 $0xFFFFFFF0, v52  }
0x26f: {  	v3 =	vor.u32 v3, v4  }
0x270: {  	v4 =	vperm.xlane v3, v0;
	_ =	sdelay $0x1  }
0x271: {  	v3 =	vperm.xlane v3, v2;
	v4 =	vadd.s32 v1, v4;
	_ =	sdelay $0x1  }
0x272: {  	v3 =	vadd.s32 v1, v3;
	_ =	sdelay $0x2  }
0x273: {  	[tilespmem:s23], [sflag:$0x1] =	stream.indirect_vreg.gather [hbm4b:s1+s3], $0x80, v4, vm0, $0xb8;
	[tilespmem:$0x8080] =	vst v63  }
0x274: {  	_ = 	snop  }
0x275: {  	[tilespmem:s24], [sflag:$0x1] =	stream.indirect_vreg.gather [hbm4b:s1+s3], $0x80, v3, vm0, $0xb8;
	[tilespmem:$0x8080] =	vst v63  }
0x276: {  	v3 =	vld [tilespmem:$0x50];
	_ =	sdelay $0x4  }
0x277: {  	v53 =	vshll.u32 v3, $0x1  }
0x278: {  	v3 =	vand.u32 $0x7, v3;
	v4 =	vand.u32 $0xFFFFFFF0, v53  }
0x279: {  	v3 =	vor.u32 v3, v4  }
0x27a: {  	v4 =	vperm.xlane v3, v0;
	_ =	sdelay $0x1  }
0x27b: {  	v3 =	vperm.xlane v3, v2;
	v4 =	vadd.s32 v1, v4;
	_ =	sdelay $0x1  }
0x27c: {  	v3 =	vadd.s32 v1, v3;
	_ =	sdelay $0x2  }
0x27d: {  	[tilespmem:s25], [sflag:$0x1] =	stream.indirect_vreg.gather [hbm4b:s1+s3], $0x80, v4, vm0, $0xb8;
	[tilespmem:$0x8080] =	vst v63  }
0x27e: {  	_ = 	snop  }
0x27f: {  	[tilespmem:s26], [sflag:$0x1] =	stream.indirect_vreg.gather [hbm4b:s1+s3], $0x80, v3, vm0, $0xb8;
	[tilespmem:$0x8080] =	vst v63  }
0x280: {  	v3 =	vld [tilespmem:$0x60];
	_ =	sdelay $0x4  }
0x281: {  	v54 =	vshll.u32 v3, $0x1  }
0x282: {  	v3 =	vand.u32 $0x7, v3;
	v4 =	vand.u32 $0xFFFFFFF0, v54  }
0x283: {  	v3 =	vor.u32 v3, v4  }
0x284: {  	v4 =	vperm.xlane v3, v0;
	_ =	sdelay $0x1  }
0x285: {  	v3 =	vperm.xlane v3, v2;
	v4 =	vadd.s32 v1, v4;
	_ =	sdelay $0x1  }
0x286: {  	v3 =	vadd.s32 v1, v3;
	_ =	sdelay $0x2  }
0x287: {  	[tilespmem:s28], [sflag:$0x1] =	stream.indirect_vreg.gather [hbm4b:s1+s3], $0x80, v4, vm0, $0xb8;
	[tilespmem:$0x8080] =	vst v63  }
0x288: {  	_ = 	snop  }
0x289: {  	[tilespmem:s29], [sflag:$0x1] =	stream.indirect_vreg.gather [hbm4b:s1+s3], $0x80, v3, vm0, $0xb8;
	[tilespmem:$0x8080] =	vst v63  }
0x28a: {  	v3 =	vld [tilespmem:$0x70];
	_ =	sdelay $0x4  }
0x28b: {  	v55 =	vshll.u32 v3, $0x1  }
0x28c: {  	v3 =	vand.u32 $0x7, v3;
	v4 =	vand.u32 $0xFFFFFFF0, v55  }
0x28d: {  	v3 =	vor.u32 v3, v4  }
0x28e: {  	v4 =	vperm.xlane v3, v0;
	_ =	sdelay $0x1  }
0x28f: {  	v3 =	vperm.xlane v3, v2;
	v4 =	vadd.s32 v1, v4;
	_ =	sdelay $0x1  }
0x290: {  	v3 =	vadd.s32 v1, v3;
	_ =	sdelay $0x2  }
0x291: {  	[tilespmem:s30], [sflag:$0x1] =	stream.indirect_vreg.gather [hbm4b:s1+s3], $0x80, v4, vm0, $0xb8;
	[tilespmem:$0x8080] =	vst v63  }
0x292: {  	_ = 	snop  }
0x293: {  	[tilespmem:s31], [sflag:$0x1] =	stream.indirect_vreg.gather [hbm4b:s1+s3], $0x80, v3, vm0, $0xb8;
	[tilespmem:$0x8080] =	vst v63  }
0x294: {  	_ =	swait.ge [sflag:s0], $0x8000  }
0x295: {  	[sflag:s0] =	ssyncset.done $0x0  }
0x296: {  	[sflag:s0] =	ssyncadd.s32 $0xFFFF8000  }
0x297: {  	[hbm4b:s10+s3] =	stream.linear.scatter [tilespmem:s15], [sflag:$0x2], $0x8000, $0x38;
	[tilespmem:$0x8080] =	vst v63  }
0x298: {  	_ =	swait.ge [sflag:s14], $0x8000  }
0x299: {  	[sflag:s14] =	ssyncset.done $0x0  }
0x29a: {  	[sflag:s14] =	ssyncadd.s32 $0xFFFF8000  }
0x29b: {  	[tilespmem:s3], [sflag:$0x2] =	stream.linear.gather [hbm4b:s11+s3], $0x80, $0x38;
	[tilespmem:$0x8080] =	vst v63  }
0x29c: {  	_ =	swait.ge [sflag:s14], $0x80  }
0x29d: {  	[sflag:s14] =	ssyncset.done $0x0  }
0x29e: {  	[sflag:s14] =	ssyncadd.s32 $0xFFFFFF80  }
0x29f: {  	v3 =	vld [tilespmem:$0x0];
	_ =	sdelay $0x4  }
0x2a0: {  	v56 =	vshll.u32 v3, $0x1  }
0x2a1: {  	v3 =	vand.u32 $0x7, v3;
	v4 =	vand.u32 $0xFFFFFFF0, v56  }
0x2a2: {  	v3 =	vor.u32 v3, v4  }
0x2a3: {  	v4 =	vperm.xlane v3, v0;
	_ =	sdelay $0x1  }
0x2a4: {  	v3 =	vperm.xlane v3, v2;
	v4 =	vadd.s32 v1, v4;
	_ =	sdelay $0x1  }
0x2a5: {  	v3 =	vadd.s32 v1, v3;
	_ =	sdelay $0x2  }
0x2a6: {  	[tilespmem:s15], [sflag:$0x1] =	stream.indirect_vreg.gather [hbm4b:s1+s3], $0x80, v4, vm0, $0xb8;
	[tilespmem:$0x8080] =	vst v63  }
0x2a7: {  	_ = 	snop  }
0x2a8: {  	[tilespmem:s16], [sflag:$0x1] =	stream.indirect_vreg.gather [hbm4b:s1+s3], $0x80, v3, vm0, $0xb8;
	[tilespmem:$0x8080] =	vst v63  }
0x2a9: {  	v3 =	vld [tilespmem:$0x10];
	_ =	sdelay $0x4  }
0x2aa: {  	v57 =	vshll.u32 v3, $0x1  }
0x2ab: {  	v3 =	vand.u32 $0x7, v3;
	v4 =	vand.u32 $0xFFFFFFF0, v57  }
0x2ac: {  	v3 =	vor.u32 v3, v4  }
0x2ad: {  	v4 =	vperm.xlane v3, v0;
	_ =	sdelay $0x1  }
0x2ae: {  	v3 =	vperm.xlane v3, v2;
	v4 =	vadd.s32 v1, v4;
	_ =	sdelay $0x1  }
0x2af: {  	v3 =	vadd.s32 v1, v3;
	_ =	sdelay $0x2  }
0x2b0: {  	[tilespmem:s17], [sflag:$0x1] =	stream.indirect_vreg.gather [hbm4b:s1+s3], $0x80, v4, vm0, $0xb8;
	[tilespmem:$0x8080] =	vst v63  }
0x2b1: {  	_ = 	snop  }
0x2b2: {  	[tilespmem:s18], [sflag:$0x1] =	stream.indirect_vreg.gather [hbm4b:s1+s3], $0x80, v3, vm0, $0xb8;
	[tilespmem:$0x8080] =	vst v63  }
0x2b3: {  	v3 =	vld [tilespmem:$0x20];
	_ =	sdelay $0x4  }
0x2b4: {  	v58 =	vshll.u32 v3, $0x1  }
0x2b5: {  	v3 =	vand.u32 $0x7, v3;
	v4 =	vand.u32 $0xFFFFFFF0, v58  }
0x2b6: {  	v3 =	vor.u32 v3, v4  }
0x2b7: {  	v4 =	vperm.xlane v3, v0;
	_ =	sdelay $0x1  }
0x2b8: {  	v3 =	vperm.xlane v3, v2;
	v4 =	vadd.s32 v1, v4;
	_ =	sdelay $0x1  }
0x2b9: {  	v3 =	vadd.s32 v1, v3;
	_ =	sdelay $0x2  }
0x2ba: {  	[tilespmem:s19], [sflag:$0x1] =	stream.indirect_vreg.gather [hbm4b:s1+s3], $0x80, v4, vm0, $0xb8;
	[tilespmem:$0x8080] =	vst v63  }
0x2bb: {  	_ = 	snop  }
0x2bc: {  	[tilespmem:s20], [sflag:$0x1] =	stream.indirect_vreg.gather [hbm4b:s1+s3], $0x80, v3, vm0, $0xb8;
	[tilespmem:$0x8080] =	vst v63  }
0x2bd: {  	v3 =	vld [tilespmem:$0x30];
	_ =	sdelay $0x4  }
0x2be: {  	v59 =	vshll.u32 v3, $0x1  }
0x2bf: {  	v3 =	vand.u32 $0x7, v3;
	v4 =	vand.u32 $0xFFFFFFF0, v59  }
0x2c0: {  	v3 =	vor.u32 v3, v4  }
0x2c1: {  	v4 =	vperm.xlane v3, v0;
	_ =	sdelay $0x1  }
0x2c2: {  	v3 =	vperm.xlane v3, v2;
	v4 =	vadd.s32 v1, v4;
	_ =	sdelay $0x1  }
0x2c3: {  	v3 =	vadd.s32 v1, v3;
	_ =	sdelay $0x2  }
0x2c4: {  	[tilespmem:s21], [sflag:$0x1] =	stream.indirect_vreg.gather [hbm4b:s1+s3], $0x80, v4, vm0, $0xb8;
	[tilespmem:$0x8080] =	vst v63  }
0x2c5: {  	_ = 	snop  }
0x2c6: {  	[tilespmem:s22], [sflag:$0x1] =	stream.indirect_vreg.gather [hbm4b:s1+s3], $0x80, v3, vm0, $0xb8;
	[tilespmem:$0x8080] =	vst v63  }
0x2c7: {  	v3 =	vld [tilespmem:$0x40];
	_ =	sdelay $0x4  }
0x2c8: {  	v60 =	vshll.u32 v3, $0x1  }
0x2c9: {  	v3 =	vand.u32 $0x7, v3;
	v4 =	vand.u32 $0xFFFFFFF0, v60  }
0x2ca: {  	v3 =	vor.u32 v3, v4  }
0x2cb: {  	v4 =	vperm.xlane v3, v0;
	_ =	sdelay $0x1  }
0x2cc: {  	v3 =	vperm.xlane v3, v2;
	v4 =	vadd.s32 v1, v4;
	_ =	sdelay $0x1  }
0x2cd: {  	v3 =	vadd.s32 v1, v3;
	_ =	sdelay $0x2  }
0x2ce: {  	[tilespmem:s23], [sflag:$0x1] =	stream.indirect_vreg.gather [hbm4b:s1+s3], $0x80, v4, vm0, $0xb8;
	[tilespmem:$0x8080] =	vst v63  }
0x2cf: {  	_ = 	snop  }
0x2d0: {  	[tilespmem:s24], [sflag:$0x1] =	stream.indirect_vreg.gather [hbm4b:s1+s3], $0x80, v3, vm0, $0xb8;
	[tilespmem:$0x8080] =	vst v63  }
0x2d1: {  	v3 =	vld [tilespmem:$0x50];
	_ =	sdelay $0x4  }
0x2d2: {  	v61 =	vshll.u32 v3, $0x1  }
0x2d3: {  	v3 =	vand.u32 $0x7, v3;
	v4 =	vand.u32 $0xFFFFFFF0, v61  }
0x2d4: {  	v3 =	vor.u32 v3, v4  }
0x2d5: {  	v4 =	vperm.xlane v3, v0;
	_ =	sdelay $0x1  }
0x2d6: {  	v3 =	vperm.xlane v3, v2;
	v4 =	vadd.s32 v1, v4;
	_ =	sdelay $0x1  }
0x2d7: {  	v3 =	vadd.s32 v1, v3;
	_ =	sdelay $0x2  }
0x2d8: {  	[tilespmem:s25], [sflag:$0x1] =	stream.indirect_vreg.gather [hbm4b:s1+s3], $0x80, v4, vm0, $0xb8;
	[tilespmem:$0x8080] =	vst v63  }
0x2d9: {  	_ = 	snop  }
0x2da: {  	[tilespmem:s26], [sflag:$0x1] =	stream.indirect_vreg.gather [hbm4b:s1+s3], $0x80, v3, vm0, $0xb8;
	[tilespmem:$0x8080] =	vst v63  }
0x2db: {  	v3 =	vld [tilespmem:$0x60];
	_ =	sdelay $0x4  }
0x2dc: {  	v62 =	vshll.u32 v3, $0x1  }
0x2dd: {  	v3 =	vand.u32 $0x7, v3;
	v4 =	vand.u32 $0xFFFFFFF0, v62  }
0x2de: {  	v3 =	vor.u32 v3, v4  }
0x2df: {  	v4 =	vperm.xlane v3, v0;
	_ =	sdelay $0x1  }
0x2e0: {  	v3 =	vperm.xlane v3, v2;
	v4 =	vadd.s32 v1, v4;
	_ =	sdelay $0x1  }
0x2e1: {  	v3 =	vadd.s32 v1, v3;
	_ =	sdelay $0x2  }
0x2e2: {  	[tilespmem:s28], [sflag:$0x1] =	stream.indirect_vreg.gather [hbm4b:s1+s3], $0x80, v4, vm0, $0xb8;
	[tilespmem:$0x8080] =	vst v63  }
0x2e3: {  	_ = 	snop  }
0x2e4: {  	[tilespmem:s29], [sflag:$0x1] =	stream.indirect_vreg.gather [hbm4b:s1+s3], $0x80, v3, vm0, $0xb8;
	[tilespmem:$0x8080] =	vst v63  }
0x2e5: {  	v3 =	vld [tilespmem:$0x70];
	_ =	sdelay $0x4  }
0x2e6: {  	v63 =	vshll.u32 v3, $0x1  }
0x2e7: {  	v3 =	vand.u32 $0x7, v3;
	v4 =	vand.u32 $0xFFFFFFF0, v63  }
0x2e8: {  	v3 =	vor.u32 v3, v4  }
0x2e9: {  	v4 =	vperm.xlane v3, v0;
	_ =	sdelay $0x1  }
0x2ea: {  	v3 =	vperm.xlane v3, v2;
	v4 =	vadd.s32 v1, v4;
	_ =	sdelay $0x1  }
0x2eb: {  	v3 =	vadd.s32 v1, v3;
	_ =	sdelay $0x2  }
0x2ec: {  	[tilespmem:s30], [sflag:$0x1] =	stream.indirect_vreg.gather [hbm4b:s1+s3], $0x80, v4, vm0, $0xb8;
	[tilespmem:$0x8080] =	vst v63  }
0x2ed: {  	_ = 	snop  }
0x2ee: {  	[tilespmem:s31], [sflag:$0x1] =	stream.indirect_vreg.gather [hbm4b:s1+s3], $0x80, v3, vm0, $0xb8;
	[tilespmem:$0x8080] =	vst v63  }
0x2ef: {  	_ =	swait.ge [sflag:s0], $0x8000  }
0x2f0: {  	p0 =	sne.s32 s13, $0x1;
	[sflag:s0] =	ssyncset.done $0x0  }
.Ltmp0:
0x2f1: {  	[sflag:s0] =	ssyncadd.s32 $0xFFFF8000;
	(pc) =	sbr.rel @p0 .LBB2_1-.Ltmp0, $4  }
0x2f2: {  	[hbm4b:s12+s3] =	stream.linear.scatter [tilespmem:s15], [sflag:$0x2], $0x8000, $0x38;
	[tilespmem:$0x8080] =	vst v63  }
0x2f3: {  	_ =	swait.ge [sflag:s14], $0x8000  }
0x2f4: {  	[sflag:s14] =	ssyncset.done $0x0  }
0x2f5: {  	s13 =	sadd.s32 $0xFFFFFFFF, s13;
	[sflag:s14] =	ssyncadd.s32 $0xFFFF8000  }
0x2f6: {  	_ =	sfence.sel $0x180000  }
0x2f7: {  	[bflag:$0x0] =	sbarrier.arrive $0xFFFF  }
0x2f8: {  	_ =	strace $0x90000047  }
0x2f9: {  	s0 =	stileid.u32;
	[bflag:$0x2] =	sbarrier.arrive $0xFFFF  }
0x2fa: {  	p0 =	sne.s32 s0, $0x0;
	s0 =	rddreg [dreg:$0x2]  }
0x2fb: {  	s0 =	sadd.s32 @!p0 $0x100000, s0  }
0x2fc: {  	[sflag:s0] =	ssyncadd.tile.s32 @!p0 $0x1;
	_ =	shalt  }
.Lfunc_end2:
_tile_overlayer_lowered:
.L_overlay_start_2:
0x2fd: {  	(tag) =	ssettag $0x2  }
0x2fe: {  	s0 =	rddreg [dreg:$0x0];
	s2 =	stileid.u32  }
0x2ff: {  	s1 =	rddreg [dreg:$0x1];
	p0 =	sne.s32 s2, $0x0  }
0x300: {  	s3 =	rddreg [dreg:$0x2];
	[bflag:$0x3] =	sbarrier.arrive $0xFFFF;
	s2 =	simm.s32 @!p0 $0x1C02  }
0x301: {  	[timem:s3], [sflag:s2] =	dma.local @!p0 [hbm:s0], s1  }
0x302: {  	s0 =	simm.s32 @!p0 $0x2  }
0x303: {  	_ =	swait.ge @!p0 [sflag:s0], s1  }
0x304: {  	s1 =	ssub.s32 @!p0 $0x0, s1;
	[sflag:s0] =	ssyncset.done @!p0 $0x0  }
0x305: {  	[sflag:s0] =	ssyncadd.s32 @!p0 s1  }
0x306: {  	[bflag:$0x3] =	sbarrier.arrive $0xFFFF  }
0x307: {  	_ =	shalt  }

</sc_bundles>
